<compile_context>
chip_gen: v7x
topology: tpu7x:2x2x1
jax: 0.10.2.dev20260603
libtpu: 0.0.44.dev20260713+nightly
codegen_flags: <defaults>
</compile_context>

<pallas_src>
import functools

import jax
import jax.numpy as jnp
from jax import lax
from jax.experimental import pallas as pl
from jax.experimental.pallas import tpu as pltpu
from jax.experimental.pallas import tpu_sc as plsc

_NC = 2
_NS = 16
_NW = _NC * _NS

_D = 64
_GS = 128
_NCAT = 1024


def _sub_fold_body(subT_ref, wb_ref, out_ref, *, half, chunk):
    dn = (((0,), (0,)), ((), ()))
    for c in range(half // chunk):
        lo = lax.dot_general(subT_ref[:, c * chunk:(c + 1) * chunk],
                             wb_ref[...], dn, preferred_element_type=jnp.float32)
        hi = lax.dot_general(subT_ref[:, half + c * chunk:half + (c + 1) * chunk],
                             wb_ref[...], dn, preferred_element_type=jnp.float32)
        out_ref[c * chunk:(c + 1) * chunk, :] = jnp.concatenate([lo, hi], axis=1)


def _cat_fold_body(cat_ref, wc1T_ref, wc2T_ref, bp_ref, bc_ref, out_ref):
    bias = bc_ref[...] + jnp.dot(bp_ref[...], wc2T_ref[...],
                                 preferred_element_type=jnp.float32)
    out_ref[...] = jnp.dot(cat_ref[...], wc1T_ref[...],
                           preferred_element_type=jnp.float32) + bias


def _fold_tables(cat_table, sub_table, W_proj, b_proj, W_comb, b_comb):
    wc1T = W_comb[:, :_D].T
    wc2T = W_comb[:, _D:].T
    n_sub, sub_dim = sub_table.shape
    half = n_sub // 2
    wb = W_proj.T @ wc2T
    subT = sub_table.T
    sub_contrib = pl.pallas_call(
        functools.partial(_sub_fold_body, half=half, chunk=5000),
        out_shape=jax.ShapeDtypeStruct((half, 2 * _D), jnp.float32),
    )(subT, wb)
    cat_padded = jnp.zeros((_NCAT, cat_table.shape[1]), jnp.float32)
    cat_padded = cat_padded.at[:cat_table.shape[0]].set(cat_table)
    cat_contrib = pl.pallas_call(
        _cat_fold_body,
        out_shape=jax.ShapeDtypeStruct((_NCAT, _D), jnp.float32),
    )(cat_padded, wc1T, wc2T, b_proj.reshape(1, _D), b_comb.reshape(1, _D))
    return cat_contrib, sub_contrib


@functools.cache
def _make_sc_lookup(n_tokens):
    blk = 256
    ng = blk // _GS
    nbuf = 4
    assert n_tokens % (_NW * nbuf * blk) == 0
    per_w = n_tokens // _NW
    n_blk = per_w // blk
    n_out = -(-(n_blk + 2) // nbuf)
    mesh = plsc.VectorSubcoreMesh(core_axis_name="c", subcore_axis_name="s")

    @functools.partial(
        pl.kernel,
        out_type=jax.ShapeDtypeStruct((n_tokens, 2 * _D), jnp.float32),
        mesh=mesh,
        scratch_types=(
            [pltpu.VMEM((2, blk), jnp.int32) for _ in range(nbuf)]
            + [pltpu.VMEM((blk, _D), jnp.float32) for _ in range(nbuf)]
            + [pltpu.VMEM_SHARED((_NCAT, _D), jnp.float32)]
            + [pltpu.SemaphoreType.DMA] * (3 * nbuf)
        ),
        compiler_params=pltpu.CompilerParams(use_tc_tiling_on_sc=False),
    )
    def sc_lookup(cat_hbm, sub_hbm, cid_hbm, sid_hbm, out_hbm, *scratch):
        idx = scratch[0:nbuf]
        row = scratch[nbuf:2 * nbuf]
        cat_sp = scratch[2 * nbuf]
        isem = scratch[2 * nbuf + 1:3 * nbuf + 1]
        gsem = scratch[3 * nbuf + 1:4 * nbuf + 1]
        osem = scratch[4 * nbuf + 1:5 * nbuf + 1]
        cid = lax.axis_index("c")
        sid = lax.axis_index("s")
        wid = sid * _NC + cid
        w_base = wid * per_w

        def issue_idx(i, s):
            base = w_base + i * blk
            pltpu.async_copy(cid_hbm.at[pl.ds(base, blk)], idx[s].at[0], isem[s])
            pltpu.async_copy(sid_hbm.at[pl.ds(base, blk)], idx[s].at[1], isem[s])

        def wait_idx(i, s):
            base = w_base + i * blk
            pltpu.make_async_copy(cid_hbm.at[pl.ds(base, blk)], idx[s].at[0],
                                  isem[s]).wait()
            pltpu.make_async_copy(sid_hbm.at[pl.ds(base, blk)], idx[s].at[1],
                                  isem[s]).wait()

        def issue_cat(s):
            for g in range(ng):
                sl = pl.ds(g * _GS, _GS)
                pltpu.async_copy(cat_sp.at[idx[s].at[0, sl]], row[s].at[sl],
                                 gsem[s])

        def wait_cat(s):
            for g in range(ng):
                sl = pl.ds(g * _GS, _GS)
                pltpu.make_async_copy(cat_sp.at[idx[s].at[0, sl]],
                                      row[s].at[sl], gsem[s]).wait()

        def issue_sub(s):
            for g in range(ng):
                sl = pl.ds(g * _GS, _GS)
                pltpu.async_copy(sub_hbm.at[idx[s].at[1, sl]], row[s].at[sl],
                                 gsem[s], add=True)

        def wait_sub(s):
            for g in range(ng):
                sl = pl.ds(g * _GS, _GS)
                pltpu.make_async_copy(sub_hbm.at[idx[s].at[1, sl]],
                                      row[s].at[sl], gsem[s]).wait()

        def issue_store(i, s):
            base = w_base + i * blk
            pltpu.async_copy(row[s], out_hbm.at[pl.ds(base, blk), pl.ds(0, _D)],
                             osem[s])

        def wait_store(i, s):
            base = w_base + i * blk
            pltpu.make_async_copy(row[s],
                                  out_hbm.at[pl.ds(base, blk), pl.ds(0, _D)],
                                  osem[s]).wait()

        rows_per = _NCAT // _NS
        pltpu.sync_copy(cat_hbm.at[pl.ds(sid * rows_per, rows_per)],
                        cat_sp.at[pl.ds(sid * rows_per, rows_per)])

        for t in range(nbuf):
            base = w_base + t * blk
            pltpu.sync_copy(cid_hbm.at[pl.ds(base, blk)], idx[t].at[0])
            pltpu.sync_copy(sid_hbm.at[pl.ds(base, blk)], idx[t].at[1])

        plsc.subcore_barrier()

        @pl.loop(0, n_out)
        def _(o):
            for p in range(nbuf):
                j = nbuf * o + p

                @pl.when(j < n_blk)
                def _():
                    @pl.when(j >= nbuf)
                    def _():
                        wait_idx(j, p)
                        wait_store(j - nbuf, p)

                    issue_cat(p)

                @pl.when((j >= 1) & (j - 1 < n_blk))
                def _():
                    s1 = (p - 1) % nbuf
                    wait_cat(s1)
                    issue_sub(s1)

                @pl.when((j >= 2) & (j - 2 < n_blk))
                def _():
                    s2 = (p - 2) % nbuf
                    wait_sub(s2)
                    issue_store(j - 2, s2)

                    @pl.when(j + 2 < n_blk)
                    def _():
                        issue_idx(j + 2, s2)

        for t in range(nbuf):
            i = n_blk - nbuf + t
            wait_store(i, i % nbuf)

    return sc_lookup


def kernel(category_ids, subcategory_ids, cat_table, sub_table,
           W_proj, b_proj, W_comb, b_comb):
    cat_contrib, sub_contrib = _fold_tables(
        cat_table, sub_table, W_proj, b_proj, W_comb, b_comb)
    cid = category_ids.reshape(-1).astype(jnp.int32)
    sid = subcategory_ids.reshape(-1).astype(jnp.int32)
    half = sub_table.shape[0] // 2
    sid = jnp.where(sid < half, 2 * sid, 2 * (sid - half) + 1)
    out = _make_sc_lookup(cid.shape[0])(
        cat_contrib, sub_contrib.reshape(-1, _D), cid, sid)
    b, s = category_ids.shape
    return out.reshape(b, s, 2 * _D)[..., :_D]

# --- scband reference (transcript-rebuilt; emitter-appended) ---
"""Pipeline reference for scband-merchant-category-embedding-57140244906286 (READ-ONLY COPY).

The authoritative reference and input builder live on the scoring server;
editing this copy changes nothing except your own understanding.
"""

import jax, jax.numpy as jnp
import numpy as np

NUM_CATEGORIES = 1000
NUM_SUBCATEGORIES = 100000
CAT_DIM = 64
SUBCAT_DIM = 32
BATCH = 4096
SEQ = 200


def setup_inputs(seed: int = 0) -> dict:
    key = jax.random.key(seed)
    k1, k2, k3, k4, k5, k6, k7, k8 = jax.random.split(key, 8)
    category_ids = jax.random.randint(k1, (BATCH, SEQ), 0, NUM_CATEGORIES, dtype=jnp.int64 if jax.config.jax_enable_x64 else jnp.int32)
    subcategory_ids = jax.random.randint(k2, (BATCH, SEQ), 0, NUM_SUBCATEGORIES, dtype=jnp.int64 if jax.config.jax_enable_x64 else jnp.int32)
    cat_table = jax.random.normal(k3, (NUM_CATEGORIES, CAT_DIM), dtype=jnp.float32)
    sub_table = jax.random.normal(k4, (NUM_SUBCATEGORIES, SUBCAT_DIM), dtype=jnp.float32)
    # hierarchy_projection: Linear(SUBCAT_DIM -> CAT_DIM), torch convention W[out,in]
    W_proj = jax.random.normal(k5, (CAT_DIM, SUBCAT_DIM), dtype=jnp.float32) * (1.0 / np.sqrt(SUBCAT_DIM))
    b_proj = jax.random.normal(k6, (CAT_DIM,), dtype=jnp.float32) * 0.01
    # combine_layer: Linear(2*CAT_DIM -> CAT_DIM)
    W_comb = jax.random.normal(k7, (CAT_DIM, 2 * CAT_DIM), dtype=jnp.float32) * (1.0 / np.sqrt(2 * CAT_DIM))
    b_comb = jax.random.normal(k8, (CAT_DIM,), dtype=jnp.float32) * 0.01
    return {
        "category_ids": category_ids,
        "subcategory_ids": subcategory_ids,
        "cat_table": cat_table,
        "sub_table": sub_table,
        "W_proj": W_proj,
        "b_proj": b_proj,
        "W_comb": W_comb,
        "b_comb": b_comb,
    }


def reference(category_ids, subcategory_ids, cat_table, sub_table, W_proj, b_proj, W_comb, b_comb):
    # cat_embedded = self.category_embedding(category_ids)
    cat_embedded = jnp.take(cat_table, category_ids, axis=0)  # [B, S, CAT_DIM]
    # subcat_embedded = self.subcategory_embedding(subcategory_ids)
    subcat_embedded = jnp.take(sub_table, subcategory_ids, axis=0)  # [B, S, SUBCAT_DIM]
    # subcat_projected = self.hierarchy_projection(subcat_embedded)
    subcat_projected = jnp.dot(subcat_embedded, W_proj.T) + b_proj  # [B, S, CAT_DIM]
    # combined = torch.cat([cat_embedded, subcat_projected], dim=-1)
    combined = jnp.concatenate([cat_embedded, subcat_projected], axis=-1)  # [B, S, 2*CAT_DIM]
    # final = self.combine_layer(combined)
    final = jnp.dot(combined, W_comb.T) + b_comb  # [B, S, CAT_DIM]
    return final

if __name__ == "__main__":
    import jax
    _d = setup_inputs()
    print(jax.jit(kernel)(*tuple(_d.values())))

</pallas_src>

<mosaic_0001>
#map = affine_map<(d0, d1) -> (0, 0)>
#map1 = affine_map<(d0, d1) -> (0)>
module attributes {stable_mosaic.version = 14 : i64} {
  func.func @sc_lookup(%arg0: i32, %arg1: i32, %arg2: memref<1024x64xf32, #tpu.memory_space<hbm>>, %arg3: memref<100000x64xf32, #tpu.memory_space<hbm>>, %arg4: memref<819200xi32, #tpu.memory_space<hbm>>, %arg5: memref<819200xi32, #tpu.memory_space<hbm>>, %arg6: memref<819200x128xf32, #tpu.memory_space<hbm>>, %arg7: memref<2x256xi32, #tpu.memory_space<vmem>>, %arg8: memref<2x256xi32, #tpu.memory_space<vmem>>, %arg9: memref<2x256xi32, #tpu.memory_space<vmem>>, %arg10: memref<2x256xi32, #tpu.memory_space<vmem>>, %arg11: memref<256x64xf32, #tpu.memory_space<vmem>>, %arg12: memref<256x64xf32, #tpu.memory_space<vmem>>, %arg13: memref<256x64xf32, #tpu.memory_space<vmem>>, %arg14: memref<256x64xf32, #tpu.memory_space<vmem>>, %arg15: memref<1024x64xf32, #tpu.memory_space<vmem_shared>>, %arg16: memref<!tpu.dma_semaphore, #tpu.memory_space<semaphore_mem>>, %arg17: memref<!tpu.dma_semaphore, #tpu.memory_space<semaphore_mem>>, %arg18: memref<!tpu.dma_semaphore, #tpu.memory_space<semaphore_mem>>, %arg19: memref<!tpu.dma_semaphore, #tpu.memory_space<semaphore_mem>>, %arg20: memref<!tpu.dma_semaphore, #tpu.memory_space<semaphore_mem>>, %arg21: memref<!tpu.dma_semaphore, #tpu.memory_space<semaphore_mem>>, %arg22: memref<!tpu.dma_semaphore, #tpu.memory_space<semaphore_mem>>, %arg23: memref<!tpu.dma_semaphore, #tpu.memory_space<semaphore_mem>>, %arg24: memref<!tpu.dma_semaphore, #tpu.memory_space<semaphore_mem>>, %arg25: memref<!tpu.dma_semaphore, #tpu.memory_space<semaphore_mem>>, %arg26: memref<!tpu.dma_semaphore, #tpu.memory_space<semaphore_mem>>, %arg27: memref<!tpu.dma_semaphore, #tpu.memory_space<semaphore_mem>>) attributes {dimension_semantics = [#tpu.dimension_semantics<core_parallel>, #tpu.dimension_semantics<subcore_parallel>], iteration_bounds = array<i64: 2, 16>, scalar_prefetch = 0 : i64, scratch_operands = 21 : i64, tpu.core_type = #tpu.core_type<sc_vector_subcore>, window_params = [{transform_indices = #map}, {transform_indices = #map}, {transform_indices = #map1}, {transform_indices = #map1}, {transform_indices = #map}]} {
    %mul3A = arith.constant 2 : i32
    %mul3A_0 = arith.muli %arg1, %mul3A : i32
    %add3A = arith.addi %mul3A_0, %arg0 : i32
    %mul3A_1 = arith.constant 25600 : i32
    %mul3A_2 = arith.muli %add3A, %mul3A_1 : i32
    %mul3A_3 = arith.constant 64 : i32
    %mul3A_4 = arith.muli %arg1, %mul3A_3 : i32
    %mul3A_5 = arith.constant 64 : i32
    %mul3A_6 = arith.muli %arg1, %mul3A_5 : i32
    "tpu.region"() ({
      %run_scoped3A_49 = tpu.sem_alloc : memref<!tpu.dma_semaphore, #tpu.memory_space<semaphore_mem>>
      %dma_start3A = arith.constant 0 : i32
      %dma_start3A_50 = tpu.memref_slice %arg15[%mul3A_6, %dma_start3A] : memref<1024x64xf32, #tpu.memory_space<vmem_shared>> -> memref<64x64xf32, #tpu.memory_space<vmem_shared>>
      %dma_start3A_51 = arith.constant 0 : i32
      %dma_start3A_52 = tpu.memref_slice %arg2[%mul3A_4, %dma_start3A_51] : memref<1024x64xf32, #tpu.memory_space<hbm>> -> memref<64x64xf32, #tpu.memory_space<hbm>>
      tpu.enqueue_dma source(%dma_start3A_52 : memref<64x64xf32, #tpu.memory_space<hbm>>) target(%dma_start3A_50 : memref<64x64xf32, #tpu.memory_space<vmem_shared>>) target_semaphore(%run_scoped3A_49 : memref<!tpu.dma_semaphore, #tpu.memory_space<semaphore_mem>>)
      %dma_wait3A_53 = arith.constant 0 : i32
      %dma_wait3A_54 = tpu.memref_slice %arg15[%mul3A_6, %dma_wait3A_53] : memref<1024x64xf32, #tpu.memory_space<vmem_shared>> -> memref<64x64xf32, #tpu.memory_space<vmem_shared>>
      %dma_wait3A_55 = arith.constant 0 : i32
      %dma_wait3A_56 = tpu.memref_slice %arg2[%mul3A_4, %dma_wait3A_55] : memref<1024x64xf32, #tpu.memory_space<hbm>> -> memref<64x64xf32, #tpu.memory_space<hbm>>
      tpu.wait_dma2 semaphore(%run_scoped3A_49 : memref<!tpu.dma_semaphore, #tpu.memory_space<semaphore_mem>>) src(%dma_wait3A_56 : memref<64x64xf32, #tpu.memory_space<hbm>>) dst(%dma_wait3A_54 : memref<64x64xf32, #tpu.memory_space<vmem_shared>>)
      tpu.yield
    }) : () -> ()
    %add3A_7 = arith.constant 0 : i32
    %add3A_8 = arith.addi %mul3A_2, %add3A_7 : i32
    %run_scoped3A = arith.constant 0 : i32
    "tpu.region"() ({
      %run_scoped3A_49 = tpu.sem_alloc : memref<!tpu.dma_semaphore, #tpu.memory_space<semaphore_mem>>
      %dma_start3A = arith.constant 0 : i32
      %dma_start3A_50 = tpu.memref_slice %arg7[%run_scoped3A, %dma_start3A] : memref<2x256xi32, #tpu.memory_space<vmem>> -> memref<1x256xi32, #tpu.memory_space<vmem>>
      %dma_start3A_51 = tpu.memref_squeeze %dma_start3A_50 : memref<1x256xi32, #tpu.memory_space<vmem>> -> memref<256xi32, #tpu.memory_space<vmem>>
      %dma_start3A_52 = tpu.memref_slice %arg4[%add3A_8] : memref<819200xi32, #tpu.memory_space<hbm>> -> memref<256xi32, #tpu.memory_space<hbm>>
      %dma_start3A_53 = arith.constant 0 : i32
      %dma_start3A_54 = tpu.memref_slice %arg7[%run_scoped3A, %dma_start3A_53] : memref<2x256xi32, #tpu.memory_space<vmem>> -> memref<1x256xi32, #tpu.memory_space<vmem>>
      %dma_start3A_55 = tpu.memref_squeeze %dma_start3A_54 : memref<1x256xi32, #tpu.memory_space<vmem>> -> memref<256xi32, #tpu.memory_space<vmem>>
      %dma_start3A_56 = tpu.memref_slice %arg4[%add3A_8] : memref<819200xi32, #tpu.memory_space<hbm>> -> memref<256xi32, #tpu.memory_space<hbm>>
      tpu.enqueue_dma source(%dma_start3A_56 : memref<256xi32, #tpu.memory_space<hbm>>) target(%dma_start3A_55 : memref<256xi32, #tpu.memory_space<vmem>>) target_semaphore(%run_scoped3A_49 : memref<!tpu.dma_semaphore, #tpu.memory_space<semaphore_mem>>)
      %dma_wait3A_57 = arith.constant 0 : i32
      %dma_wait3A_58 = tpu.memref_slice %arg7[%run_scoped3A, %dma_wait3A_57] : memref<2x256xi32, #tpu.memory_space<vmem>> -> memref<1x256xi32, #tpu.memory_space<vmem>>
      %dma_wait3A_59 = tpu.memref_squeeze %dma_wait3A_58 : memref<1x256xi32, #tpu.memory_space<vmem>> -> memref<256xi32, #tpu.memory_space<vmem>>
      %dma_wait3A_60 = tpu.memref_slice %arg4[%add3A_8] : memref<819200xi32, #tpu.memory_space<hbm>> -> memref<256xi32, #tpu.memory_space<hbm>>
      %dma_wait3A_61 = arith.constant 0 : i32
      %dma_wait3A_62 = tpu.memref_slice %arg7[%run_scoped3A, %dma_wait3A_61] : memref<2x256xi32, #tpu.memory_space<vmem>> -> memref<1x256xi32, #tpu.memory_space<vmem>>
      %dma_wait3A_63 = tpu.memref_squeeze %dma_wait3A_62 : memref<1x256xi32, #tpu.memory_space<vmem>> -> memref<256xi32, #tpu.memory_space<vmem>>
      %dma_wait3A_64 = tpu.memref_slice %arg4[%add3A_8] : memref<819200xi32, #tpu.memory_space<hbm>> -> memref<256xi32, #tpu.memory_space<hbm>>
      tpu.wait_dma2 semaphore(%run_scoped3A_49 : memref<!tpu.dma_semaphore, #tpu.memory_space<semaphore_mem>>) src(%dma_wait3A_64 : memref<256xi32, #tpu.memory_space<hbm>>) dst(%dma_wait3A_63 : memref<256xi32, #tpu.memory_space<vmem>>)
      tpu.yield
    }) : () -> ()
    %run_scoped3A_9 = arith.constant 1 : i32
    "tpu.region"() ({
      %run_scoped3A_49 = tpu.sem_alloc : memref<!tpu.dma_semaphore, #tpu.memory_space<semaphore_mem>>
      %dma_start3A = arith.constant 0 : i32
      %dma_start3A_50 = tpu.memref_slice %arg7[%run_scoped3A_9, %dma_start3A] : memref<2x256xi32, #tpu.memory_space<vmem>> -> memref<1x256xi32, #tpu.memory_space<vmem>>
      %dma_start3A_51 = tpu.memref_squeeze %dma_start3A_50 : memref<1x256xi32, #tpu.memory_space<vmem>> -> memref<256xi32, #tpu.memory_space<vmem>>
      %dma_start3A_52 = tpu.memref_slice %arg5[%add3A_8] : memref<819200xi32, #tpu.memory_space<hbm>> -> memref<256xi32, #tpu.memory_space<hbm>>
      %dma_start3A_53 = arith.constant 0 : i32
      %dma_start3A_54 = tpu.memref_slice %arg7[%run_scoped3A_9, %dma_start3A_53] : memref<2x256xi32, #tpu.memory_space<vmem>> -> memref<1x256xi32, #tpu.memory_space<vmem>>
      %dma_start3A_55 = tpu.memref_squeeze %dma_start3A_54 : memref<1x256xi32, #tpu.memory_space<vmem>> -> memref<256xi32, #tpu.memory_space<vmem>>
      %dma_start3A_56 = tpu.memref_slice %arg5[%add3A_8] : memref<819200xi32, #tpu.memory_space<hbm>> -> memref<256xi32, #tpu.memory_space<hbm>>
      tpu.enqueue_dma source(%dma_start3A_56 : memref<256xi32, #tpu.memory_space<hbm>>) target(%dma_start3A_55 : memref<256xi32, #tpu.memory_space<vmem>>) target_semaphore(%run_scoped3A_49 : memref<!tpu.dma_semaphore, #tpu.memory_space<semaphore_mem>>)
      %dma_wait3A_57 = arith.constant 0 : i32
      %dma_wait3A_58 = tpu.memref_slice %arg7[%run_scoped3A_9, %dma_wait3A_57] : memref<2x256xi32, #tpu.memory_space<vmem>> -> memref<1x256xi32, #tpu.memory_space<vmem>>
      %dma_wait3A_59 = tpu.memref_squeeze %dma_wait3A_58 : memref<1x256xi32, #tpu.memory_space<vmem>> -> memref<256xi32, #tpu.memory_space<vmem>>
      %dma_wait3A_60 = tpu.memref_slice %arg5[%add3A_8] : memref<819200xi32, #tpu.memory_space<hbm>> -> memref<256xi32, #tpu.memory_space<hbm>>
      %dma_wait3A_61 = arith.constant 0 : i32
      %dma_wait3A_62 = tpu.memref_slice %arg7[%run_scoped3A_9, %dma_wait3A_61] : memref<2x256xi32, #tpu.memory_space<vmem>> -> memref<1x256xi32, #tpu.memory_space<vmem>>
      %dma_wait3A_63 = tpu.memref_squeeze %dma_wait3A_62 : memref<1x256xi32, #tpu.memory_space<vmem>> -> memref<256xi32, #tpu.memory_space<vmem>>
      %dma_wait3A_64 = tpu.memref_slice %arg5[%add3A_8] : memref<819200xi32, #tpu.memory_space<hbm>> -> memref<256xi32, #tpu.memory_space<hbm>>
      tpu.wait_dma2 semaphore(%run_scoped3A_49 : memref<!tpu.dma_semaphore, #tpu.memory_space<semaphore_mem>>) src(%dma_wait3A_64 : memref<256xi32, #tpu.memory_space<hbm>>) dst(%dma_wait3A_63 : memref<256xi32, #tpu.memory_space<vmem>>)
      tpu.yield
    }) : () -> ()
    %add3A_10 = arith.constant 256 : i32
    %add3A_11 = arith.addi %mul3A_2, %add3A_10 : i32
    %run_scoped3A_12 = arith.constant 0 : i32
    "tpu.region"() ({
      %run_scoped3A_49 = tpu.sem_alloc : memref<!tpu.dma_semaphore, #tpu.memory_space<semaphore_mem>>
      %dma_start3A = arith.constant 0 : i32
      %dma_start3A_50 = tpu.memref_slice %arg8[%run_scoped3A_12, %dma_start3A] : memref<2x256xi32, #tpu.memory_space<vmem>> -> memref<1x256xi32, #tpu.memory_space<vmem>>
      %dma_start3A_51 = tpu.memref_squeeze %dma_start3A_50 : memref<1x256xi32, #tpu.memory_space<vmem>> -> memref<256xi32, #tpu.memory_space<vmem>>
      %dma_start3A_52 = tpu.memref_slice %arg4[%add3A_11] : memref<819200xi32, #tpu.memory_space<hbm>> -> memref<256xi32, #tpu.memory_space<hbm>>
      %dma_start3A_53 = arith.constant 0 : i32
      %dma_start3A_54 = tpu.memref_slice %arg8[%run_scoped3A_12, %dma_start3A_53] : memref<2x256xi32, #tpu.memory_space<vmem>> -> memref<1x256xi32, #tpu.memory_space<vmem>>
      %dma_start3A_55 = tpu.memref_squeeze %dma_start3A_54 : memref<1x256xi32, #tpu.memory_space<vmem>> -> memref<256xi32, #tpu.memory_space<vmem>>
      %dma_start3A_56 = tpu.memref_slice %arg4[%add3A_11] : memref<819200xi32, #tpu.memory_space<hbm>> -> memref<256xi32, #tpu.memory_space<hbm>>
      tpu.enqueue_dma source(%dma_start3A_56 : memref<256xi32, #tpu.memory_space<hbm>>) target(%dma_start3A_55 : memref<256xi32, #tpu.memory_space<vmem>>) target_semaphore(%run_scoped3A_49 : memref<!tpu.dma_semaphore, #tpu.memory_space<semaphore_mem>>)
      %dma_wait3A_57 = arith.constant 0 : i32
      %dma_wait3A_58 = tpu.memref_slice %arg8[%run_scoped3A_12, %dma_wait3A_57] : memref<2x256xi32, #tpu.memory_space<vmem>> -> memref<1x256xi32, #tpu.memory_space<vmem>>
      %dma_wait3A_59 = tpu.memref_squeeze %dma_wait3A_58 : memref<1x256xi32, #tpu.memory_space<vmem>> -> memref<256xi32, #tpu.memory_space<vmem>>
      %dma_wait3A_60 = tpu.memref_slice %arg4[%add3A_11] : memref<819200xi32, #tpu.memory_space<hbm>> -> memref<256xi32, #tpu.memory_space<hbm>>
      %dma_wait3A_61 = arith.constant 0 : i32
      %dma_wait3A_62 = tpu.memref_slice %arg8[%run_scoped3A_12, %dma_wait3A_61] : memref<2x256xi32, #tpu.memory_space<vmem>> -> memref<1x256xi32, #tpu.memory_space<vmem>>
      %dma_wait3A_63 = tpu.memref_squeeze %dma_wait3A_62 : memref<1x256xi32, #tpu.memory_space<vmem>> -> memref<256xi32, #tpu.memory_space<vmem>>
      %dma_wait3A_64 = tpu.memref_slice %arg4[%add3A_11] : memref<819200xi32, #tpu.memory_space<hbm>> -> memref<256xi32, #tpu.memory_space<hbm>>
      tpu.wait_dma2 semaphore(%run_scoped3A_49 : memref<!tpu.dma_semaphore, #tpu.memory_space<semaphore_mem>>) src(%dma_wait3A_64 : memref<256xi32, #tpu.memory_space<hbm>>) dst(%dma_wait3A_63 : memref<256xi32, #tpu.memory_space<vmem>>)
      tpu.yield
    }) : () -> ()
    %run_scoped3A_13 = arith.constant 1 : i32
    "tpu.region"() ({
      %run_scoped3A_49 = tpu.sem_alloc : memref<!tpu.dma_semaphore, #tpu.memory_space<semaphore_mem>>
      %dma_start3A = arith.constant 0 : i32
      %dma_start3A_50 = tpu.memref_slice %arg8[%run_scoped3A_13, %dma_start3A] : memref<2x256xi32, #tpu.memory_space<vmem>> -> memref<1x256xi32, #tpu.memory_space<vmem>>
      %dma_start3A_51 = tpu.memref_squeeze %dma_start3A_50 : memref<1x256xi32, #tpu.memory_space<vmem>> -> memref<256xi32, #tpu.memory_space<vmem>>
      %dma_start3A_52 = tpu.memref_slice %arg5[%add3A_11] : memref<819200xi32, #tpu.memory_space<hbm>> -> memref<256xi32, #tpu.memory_space<hbm>>
      %dma_start3A_53 = arith.constant 0 : i32
      %dma_start3A_54 = tpu.memref_slice %arg8[%run_scoped3A_13, %dma_start3A_53] : memref<2x256xi32, #tpu.memory_space<vmem>> -> memref<1x256xi32, #tpu.memory_space<vmem>>
      %dma_start3A_55 = tpu.memref_squeeze %dma_start3A_54 : memref<1x256xi32, #tpu.memory_space<vmem>> -> memref<256xi32, #tpu.memory_space<vmem>>
      %dma_start3A_56 = tpu.memref_slice %arg5[%add3A_11] : memref<819200xi32, #tpu.memory_space<hbm>> -> memref<256xi32, #tpu.memory_space<hbm>>
      tpu.enqueue_dma source(%dma_start3A_56 : memref<256xi32, #tpu.memory_space<hbm>>) target(%dma_start3A_55 : memref<256xi32, #tpu.memory_space<vmem>>) target_semaphore(%run_scoped3A_49 : memref<!tpu.dma_semaphore, #tpu.memory_space<semaphore_mem>>)
      %dma_wait3A_57 = arith.constant 0 : i32
      %dma_wait3A_58 = tpu.memref_slice %arg8[%run_scoped3A_13, %dma_wait3A_57] : memref<2x256xi32, #tpu.memory_space<vmem>> -> memref<1x256xi32, #tpu.memory_space<vmem>>
      %dma_wait3A_59 = tpu.memref_squeeze %dma_wait3A_58 : memref<1x256xi32, #tpu.memory_space<vmem>> -> memref<256xi32, #tpu.memory_space<vmem>>
      %dma_wait3A_60 = tpu.memref_slice %arg5[%add3A_11] : memref<819200xi32, #tpu.memory_space<hbm>> -> memref<256xi32, #tpu.memory_space<hbm>>
      %dma_wait3A_61 = arith.constant 0 : i32
      %dma_wait3A_62 = tpu.memref_slice %arg8[%run_scoped3A_13, %dma_wait3A_61] : memref<2x256xi32, #tpu.memory_space<vmem>> -> memref<1x256xi32, #tpu.memory_space<vmem>>
      %dma_wait3A_63 = tpu.memref_squeeze %dma_wait3A_62 : memref<1x256xi32, #tpu.memory_space<vmem>> -> memref<256xi32, #tpu.memory_space<vmem>>
      %dma_wait3A_64 = tpu.memref_slice %arg5[%add3A_11] : memref<819200xi32, #tpu.memory_space<hbm>> -> memref<256xi32, #tpu.memory_space<hbm>>
      tpu.wait_dma2 semaphore(%run_scoped3A_49 : memref<!tpu.dma_semaphore, #tpu.memory_space<semaphore_mem>>) src(%dma_wait3A_64 : memref<256xi32, #tpu.memory_space<hbm>>) dst(%dma_wait3A_63 : memref<256xi32, #tpu.memory_space<vmem>>)
      tpu.yield
    }) : () -> ()
    %add3A_14 = arith.constant 512 : i32
    %add3A_15 = arith.addi %mul3A_2, %add3A_14 : i32
    %run_scoped3A_16 = arith.constant 0 : i32
    "tpu.region"() ({
      %run_scoped3A_49 = tpu.sem_alloc : memref<!tpu.dma_semaphore, #tpu.memory_space<semaphore_mem>>
      %dma_start3A = arith.constant 0 : i32
      %dma_start3A_50 = tpu.memref_slice %arg9[%run_scoped3A_16, %dma_start3A] : memref<2x256xi32, #tpu.memory_space<vmem>> -> memref<1x256xi32, #tpu.memory_space<vmem>>
      %dma_start3A_51 = tpu.memref_squeeze %dma_start3A_50 : memref<1x256xi32, #tpu.memory_space<vmem>> -> memref<256xi32, #tpu.memory_space<vmem>>
      %dma_start3A_52 = tpu.memref_slice %arg4[%add3A_15] : memref<819200xi32, #tpu.memory_space<hbm>> -> memref<256xi32, #tpu.memory_space<hbm>>
      %dma_start3A_53 = arith.constant 0 : i32
      %dma_start3A_54 = tpu.memref_slice %arg9[%run_scoped3A_16, %dma_start3A_53] : memref<2x256xi32, #tpu.memory_space<vmem>> -> memref<1x256xi32, #tpu.memory_space<vmem>>
      %dma_start3A_55 = tpu.memref_squeeze %dma_start3A_54 : memref<1x256xi32, #tpu.memory_space<vmem>> -> memref<256xi32, #tpu.memory_space<vmem>>
      %dma_start3A_56 = tpu.memref_slice %arg4[%add3A_15] : memref<819200xi32, #tpu.memory_space<hbm>> -> memref<256xi32, #tpu.memory_space<hbm>>
      tpu.enqueue_dma source(%dma_start3A_56 : memref<256xi32, #tpu.memory_space<hbm>>) target(%dma_start3A_55 : memref<256xi32, #tpu.memory_space<vmem>>) target_semaphore(%run_scoped3A_49 : memref<!tpu.dma_semaphore, #tpu.memory_space<semaphore_mem>>)
      %dma_wait3A_57 = arith.constant 0 : i32
      %dma_wait3A_58 = tpu.memref_slice %arg9[%run_scoped3A_16, %dma_wait3A_57] : memref<2x256xi32, #tpu.memory_space<vmem>> -> memref<1x256xi32, #tpu.memory_space<vmem>>
      %dma_wait3A_59 = tpu.memref_squeeze %dma_wait3A_58 : memref<1x256xi32, #tpu.memory_space<vmem>> -> memref<256xi32, #tpu.memory_space<vmem>>
      %dma_wait3A_60 = tpu.memref_slice %arg4[%add3A_15] : memref<819200xi32, #tpu.memory_space<hbm>> -> memref<256xi32, #tpu.memory_space<hbm>>
      %dma_wait3A_61 = arith.constant 0 : i32
      %dma_wait3A_62 = tpu.memref_slice %arg9[%run_scoped3A_16, %dma_wait3A_61] : memref<2x256xi32, #tpu.memory_space<vmem>> -> memref<1x256xi32, #tpu.memory_space<vmem>>
      %dma_wait3A_63 = tpu.memref_squeeze %dma_wait3A_62 : memref<1x256xi32, #tpu.memory_space<vmem>> -> memref<256xi32, #tpu.memory_space<vmem>>
      %dma_wait3A_64 = tpu.memref_slice %arg4[%add3A_15] : memref<819200xi32, #tpu.memory_space<hbm>> -> memref<256xi32, #tpu.memory_space<hbm>>
      tpu.wait_dma2 semaphore(%run_scoped3A_49 : memref<!tpu.dma_semaphore, #tpu.memory_space<semaphore_mem>>) src(%dma_wait3A_64 : memref<256xi32, #tpu.memory_space<hbm>>) dst(%dma_wait3A_63 : memref<256xi32, #tpu.memory_space<vmem>>)
      tpu.yield
    }) : () -> ()
    %run_scoped3A_17 = arith.constant 1 : i32
    "tpu.region"() ({
      %run_scoped3A_49 = tpu.sem_alloc : memref<!tpu.dma_semaphore, #tpu.memory_space<semaphore_mem>>
      %dma_start3A = arith.constant 0 : i32
      %dma_start3A_50 = tpu.memref_slice %arg9[%run_scoped3A_17, %dma_start3A] : memref<2x256xi32, #tpu.memory_space<vmem>> -> memref<1x256xi32, #tpu.memory_space<vmem>>
      %dma_start3A_51 = tpu.memref_squeeze %dma_start3A_50 : memref<1x256xi32, #tpu.memory_space<vmem>> -> memref<256xi32, #tpu.memory_space<vmem>>
      %dma_start3A_52 = tpu.memref_slice %arg5[%add3A_15] : memref<819200xi32, #tpu.memory_space<hbm>> -> memref<256xi32, #tpu.memory_space<hbm>>
      %dma_start3A_53 = arith.constant 0 : i32
      %dma_start3A_54 = tpu.memref_slice %arg9[%run_scoped3A_17, %dma_start3A_53] : memref<2x256xi32, #tpu.memory_space<vmem>> -> memref<1x256xi32, #tpu.memory_space<vmem>>
      %dma_start3A_55 = tpu.memref_squeeze %dma_start3A_54 : memref<1x256xi32, #tpu.memory_space<vmem>> -> memref<256xi32, #tpu.memory_space<vmem>>
      %dma_start3A_56 = tpu.memref_slice %arg5[%add3A_15] : memref<819200xi32, #tpu.memory_space<hbm>> -> memref<256xi32, #tpu.memory_space<hbm>>
      tpu.enqueue_dma source(%dma_start3A_56 : memref<256xi32, #tpu.memory_space<hbm>>) target(%dma_start3A_55 : memref<256xi32, #tpu.memory_space<vmem>>) target_semaphore(%run_scoped3A_49 : memref<!tpu.dma_semaphore, #tpu.memory_space<semaphore_mem>>)
      %dma_wait3A_57 = arith.constant 0 : i32
      %dma_wait3A_58 = tpu.memref_slice %arg9[%run_scoped3A_17, %dma_wait3A_57] : memref<2x256xi32, #tpu.memory_space<vmem>> -> memref<1x256xi32, #tpu.memory_space<vmem>>
      %dma_wait3A_59 = tpu.memref_squeeze %dma_wait3A_58 : memref<1x256xi32, #tpu.memory_space<vmem>> -> memref<256xi32, #tpu.memory_space<vmem>>
      %dma_wait3A_60 = tpu.memref_slice %arg5[%add3A_15] : memref<819200xi32, #tpu.memory_space<hbm>> -> memref<256xi32, #tpu.memory_space<hbm>>
      %dma_wait3A_61 = arith.constant 0 : i32
      %dma_wait3A_62 = tpu.memref_slice %arg9[%run_scoped3A_17, %dma_wait3A_61] : memref<2x256xi32, #tpu.memory_space<vmem>> -> memref<1x256xi32, #tpu.memory_space<vmem>>
      %dma_wait3A_63 = tpu.memref_squeeze %dma_wait3A_62 : memref<1x256xi32, #tpu.memory_space<vmem>> -> memref<256xi32, #tpu.memory_space<vmem>>
      %dma_wait3A_64 = tpu.memref_slice %arg5[%add3A_15] : memref<819200xi32, #tpu.memory_space<hbm>> -> memref<256xi32, #tpu.memory_space<hbm>>
      tpu.wait_dma2 semaphore(%run_scoped3A_49 : memref<!tpu.dma_semaphore, #tpu.memory_space<semaphore_mem>>) src(%dma_wait3A_64 : memref<256xi32, #tpu.memory_space<hbm>>) dst(%dma_wait3A_63 : memref<256xi32, #tpu.memory_space<vmem>>)
      tpu.yield
    }) : () -> ()
    %add3A_18 = arith.constant 768 : i32
    %add3A_19 = arith.addi %mul3A_2, %add3A_18 : i32
    %run_scoped3A_20 = arith.constant 0 : i32
    "tpu.region"() ({
      %run_scoped3A_49 = tpu.sem_alloc : memref<!tpu.dma_semaphore, #tpu.memory_space<semaphore_mem>>
      %dma_start3A = arith.constant 0 : i32
      %dma_start3A_50 = tpu.memref_slice %arg10[%run_scoped3A_20, %dma_start3A] : memref<2x256xi32, #tpu.memory_space<vmem>> -> memref<1x256xi32, #tpu.memory_space<vmem>>
      %dma_start3A_51 = tpu.memref_squeeze %dma_start3A_50 : memref<1x256xi32, #tpu.memory_space<vmem>> -> memref<256xi32, #tpu.memory_space<vmem>>
      %dma_start3A_52 = tpu.memref_slice %arg4[%add3A_19] : memref<819200xi32, #tpu.memory_space<hbm>> -> memref<256xi32, #tpu.memory_space<hbm>>
      %dma_start3A_53 = arith.constant 0 : i32
      %dma_start3A_54 = tpu.memref_slice %arg10[%run_scoped3A_20, %dma_start3A_53] : memref<2x256xi32, #tpu.memory_space<vmem>> -> memref<1x256xi32, #tpu.memory_space<vmem>>
      %dma_start3A_55 = tpu.memref_squeeze %dma_start3A_54 : memref<1x256xi32, #tpu.memory_space<vmem>> -> memref<256xi32, #tpu.memory_space<vmem>>
      %dma_start3A_56 = tpu.memref_slice %arg4[%add3A_19] : memref<819200xi32, #tpu.memory_space<hbm>> -> memref<256xi32, #tpu.memory_space<hbm>>
      tpu.enqueue_dma source(%dma_start3A_56 : memref<256xi32, #tpu.memory_space<hbm>>) target(%dma_start3A_55 : memref<256xi32, #tpu.memory_space<vmem>>) target_semaphore(%run_scoped3A_49 : memref<!tpu.dma_semaphore, #tpu.memory_space<semaphore_mem>>)
      %dma_wait3A_57 = arith.constant 0 : i32
      %dma_wait3A_58 = tpu.memref_slice %arg10[%run_scoped3A_20, %dma_wait3A_57] : memref<2x256xi32, #tpu.memory_space<vmem>> -> memref<1x256xi32, #tpu.memory_space<vmem>>
      %dma_wait3A_59 = tpu.memref_squeeze %dma_wait3A_58 : memref<1x256xi32, #tpu.memory_space<vmem>> -> memref<256xi32, #tpu.memory_space<vmem>>
      %dma_wait3A_60 = tpu.memref_slice %arg4[%add3A_19] : memref<819200xi32, #tpu.memory_space<hbm>> -> memref<256xi32, #tpu.memory_space<hbm>>
      %dma_wait3A_61 = arith.constant 0 : i32
      %dma_wait3A_62 = tpu.memref_slice %arg10[%run_scoped3A_20, %dma_wait3A_61] : memref<2x256xi32, #tpu.memory_space<vmem>> -> memref<1x256xi32, #tpu.memory_space<vmem>>
      %dma_wait3A_63 = tpu.memref_squeeze %dma_wait3A_62 : memref<1x256xi32, #tpu.memory_space<vmem>> -> memref<256xi32, #tpu.memory_space<vmem>>
      %dma_wait3A_64 = tpu.memref_slice %arg4[%add3A_19] : memref<819200xi32, #tpu.memory_space<hbm>> -> memref<256xi32, #tpu.memory_space<hbm>>
      tpu.wait_dma2 semaphore(%run_scoped3A_49 : memref<!tpu.dma_semaphore, #tpu.memory_space<semaphore_mem>>) src(%dma_wait3A_64 : memref<256xi32, #tpu.memory_space<hbm>>) dst(%dma_wait3A_63 : memref<256xi32, #tpu.memory_space<vmem>>)
      tpu.yield
    }) : () -> ()
    %run_scoped3A_21 = arith.constant 1 : i32
    "tpu.region"() ({
      %run_scoped3A_49 = tpu.sem_alloc : memref<!tpu.dma_semaphore, #tpu.memory_space<semaphore_mem>>
      %dma_start3A = arith.constant 0 : i32
      %dma_start3A_50 = tpu.memref_slice %arg10[%run_scoped3A_21, %dma_start3A] : memref<2x256xi32, #tpu.memory_space<vmem>> -> memref<1x256xi32, #tpu.memory_space<vmem>>
      %dma_start3A_51 = tpu.memref_squeeze %dma_start3A_50 : memref<1x256xi32, #tpu.memory_space<vmem>> -> memref<256xi32, #tpu.memory_space<vmem>>
      %dma_start3A_52 = tpu.memref_slice %arg5[%add3A_19] : memref<819200xi32, #tpu.memory_space<hbm>> -> memref<256xi32, #tpu.memory_space<hbm>>
      %dma_start3A_53 = arith.constant 0 : i32
      %dma_start3A_54 = tpu.memref_slice %arg10[%run_scoped3A_21, %dma_start3A_53] : memref<2x256xi32, #tpu.memory_space<vmem>> -> memref<1x256xi32, #tpu.memory_space<vmem>>
      %dma_start3A_55 = tpu.memref_squeeze %dma_start3A_54 : memref<1x256xi32, #tpu.memory_space<vmem>> -> memref<256xi32, #tpu.memory_space<vmem>>
      %dma_start3A_56 = tpu.memref_slice %arg5[%add3A_19] : memref<819200xi32, #tpu.memory_space<hbm>> -> memref<256xi32, #tpu.memory_space<hbm>>
      tpu.enqueue_dma source(%dma_start3A_56 : memref<256xi32, #tpu.memory_space<hbm>>) target(%dma_start3A_55 : memref<256xi32, #tpu.memory_space<vmem>>) target_semaphore(%run_scoped3A_49 : memref<!tpu.dma_semaphore, #tpu.memory_space<semaphore_mem>>)
      %dma_wait3A_57 = arith.constant 0 : i32
      %dma_wait3A_58 = tpu.memref_slice %arg10[%run_scoped3A_21, %dma_wait3A_57] : memref<2x256xi32, #tpu.memory_space<vmem>> -> memref<1x256xi32, #tpu.memory_space<vmem>>
      %dma_wait3A_59 = tpu.memref_squeeze %dma_wait3A_58 : memref<1x256xi32, #tpu.memory_space<vmem>> -> memref<256xi32, #tpu.memory_space<vmem>>
      %dma_wait3A_60 = tpu.memref_slice %arg5[%add3A_19] : memref<819200xi32, #tpu.memory_space<hbm>> -> memref<256xi32, #tpu.memory_space<hbm>>
      %dma_wait3A_61 = arith.constant 0 : i32
      %dma_wait3A_62 = tpu.memref_slice %arg10[%run_scoped3A_21, %dma_wait3A_61] : memref<2x256xi32, #tpu.memory_space<vmem>> -> memref<1x256xi32, #tpu.memory_space<vmem>>
      %dma_wait3A_63 = tpu.memref_squeeze %dma_wait3A_62 : memref<1x256xi32, #tpu.memory_space<vmem>> -> memref<256xi32, #tpu.memory_space<vmem>>
      %dma_wait3A_64 = tpu.memref_slice %arg5[%add3A_19] : memref<819200xi32, #tpu.memory_space<hbm>> -> memref<256xi32, #tpu.memory_space<hbm>>
      tpu.wait_dma2 semaphore(%run_scoped3A_49 : memref<!tpu.dma_semaphore, #tpu.memory_space<semaphore_mem>>) src(%dma_wait3A_64 : memref<256xi32, #tpu.memory_space<hbm>>) dst(%dma_wait3A_63 : memref<256xi32, #tpu.memory_space<vmem>>)
      tpu.yield
    }) : () -> ()
    %barrier3A = arith.constant 0 : index
    tpu.barrier barrier_id(%barrier3A)
    %scan3A = arith.constant 0 : i32
    %scan3A_22 = arith.constant 26 : i32
    %scan3A_23 = arith.addi %scan3A, %scan3A_22 : i32
    %scan3A_24 = arith.constant 1 : i32
    scf.for %scan3A_49 = %scan3A to %scan3A_23 step %scan3A_24  : i32 {
      %mul3A_50 = arith.constant 1 : i32
      %mul3A_51 = arith.muli %scan3A_49, %mul3A_50 : i32
      %add3A_52 = arith.constant 0 : i32
      %add3A_53 = arith.addi %add3A_52, %mul3A_51 : i32
      %mul3A_54 = arith.constant 4 : i32
      %mul3A_55 = arith.muli %mul3A_54, %add3A_53 : i32
      %add3A_56 = arith.constant 0 : i32
      %add3A_57 = arith.addi %mul3A_55, %add3A_56 : i32
      %lt3A = arith.constant 100 : i32
      %lt3A_58 = arith.cmpi slt, %add3A_57, %lt3A : i32
      %convert_element_type3A = arith.extui %lt3A_58 : i1 to i32
      %cond3A = arith.constant 0 : i32
      %cond3A_59 = arith.cmpi ne, %convert_element_type3A, %cond3A : i32
      scf.if %cond3A_59 {
        %ge3A_164 = arith.constant 4 : i32
        %ge3A_165 = arith.cmpi sge, %add3A_57, %ge3A_164 : i32
        %convert_element_type3A_166 = arith.extui %ge3A_165 : i1 to i32
        %cond3A_167 = arith.constant 0 : i32
        %cond3A_168 = arith.cmpi ne, %convert_element_type3A_166, %cond3A_167 : i32
        scf.if %cond3A_168 {
          %mul3A_188 = arith.constant 256 : i32
          %mul3A_189 = arith.muli %add3A_57, %mul3A_188 : i32
          %add3A_190 = arith.addi %mul3A_2, %mul3A_189 : i32
          %dma_wait3A_191 = arith.constant 0 : i32
          %dma_wait3A_192 = arith.constant 0 : i32
          %dma_wait3A_193 = tpu.memref_slice %arg7[%dma_wait3A_191, %dma_wait3A_192] : memref<2x256xi32, #tpu.memory_space<vmem>> -> memref<1x256xi32, #tpu.memory_space<vmem>>
          %dma_wait3A_194 = tpu.memref_squeeze %dma_wait3A_193 : memref<1x256xi32, #tpu.memory_space<vmem>> -> memref<256xi32, #tpu.memory_space<vmem>>
          %dma_wait3A_195 = tpu.memref_slice %arg4[%add3A_190] : memref<819200xi32, #tpu.memory_space<hbm>> -> memref<256xi32, #tpu.memory_space<hbm>>
          %dma_wait3A_196 = arith.constant 0 : i32
          %dma_wait3A_197 = tpu.memref_slice %arg7[%dma_wait3A_191, %dma_wait3A_196] : memref<2x256xi32, #tpu.memory_space<vmem>> -> memref<1x256xi32, #tpu.memory_space<vmem>>
          %dma_wait3A_198 = tpu.memref_squeeze %dma_wait3A_197 : memref<1x256xi32, #tpu.memory_space<vmem>> -> memref<256xi32, #tpu.memory_space<vmem>>
          %dma_wait3A_199 = tpu.memref_slice %arg4[%add3A_190] : memref<819200xi32, #tpu.memory_space<hbm>> -> memref<256xi32, #tpu.memory_space<hbm>>
          tpu.wait_dma2 semaphore(%arg16 : memref<!tpu.dma_semaphore, #tpu.memory_space<semaphore_mem>>) src(%dma_wait3A_199 : memref<256xi32, #tpu.memory_space<hbm>>) dst(%dma_wait3A_198 : memref<256xi32, #tpu.memory_space<vmem>>)
          %dma_wait3A_200 = arith.constant 1 : i32
          %dma_wait3A_201 = arith.constant 0 : i32
          %dma_wait3A_202 = tpu.memref_slice %arg7[%dma_wait3A_200, %dma_wait3A_201] : memref<2x256xi32, #tpu.memory_space<vmem>> -> memref<1x256xi32, #tpu.memory_space<vmem>>
          %dma_wait3A_203 = tpu.memref_squeeze %dma_wait3A_202 : memref<1x256xi32, #tpu.memory_space<vmem>> -> memref<256xi32, #tpu.memory_space<vmem>>
          %dma_wait3A_204 = tpu.memref_slice %arg5[%add3A_190] : memref<819200xi32, #tpu.memory_space<hbm>> -> memref<256xi32, #tpu.memory_space<hbm>>
          %dma_wait3A_205 = arith.constant 0 : i32
          %dma_wait3A_206 = tpu.memref_slice %arg7[%dma_wait3A_200, %dma_wait3A_205] : memref<2x256xi32, #tpu.memory_space<vmem>> -> memref<1x256xi32, #tpu.memory_space<vmem>>
          %dma_wait3A_207 = tpu.memref_squeeze %dma_wait3A_206 : memref<1x256xi32, #tpu.memory_space<vmem>> -> memref<256xi32, #tpu.memory_space<vmem>>
          %dma_wait3A_208 = tpu.memref_slice %arg5[%add3A_190] : memref<819200xi32, #tpu.memory_space<hbm>> -> memref<256xi32, #tpu.memory_space<hbm>>
          tpu.wait_dma2 semaphore(%arg16 : memref<!tpu.dma_semaphore, #tpu.memory_space<semaphore_mem>>) src(%dma_wait3A_208 : memref<256xi32, #tpu.memory_space<hbm>>) dst(%dma_wait3A_207 : memref<256xi32, #tpu.memory_space<vmem>>)
          %sub3A_209 = arith.constant 4 : i32
          %sub3A_210 = arith.subi %add3A_57, %sub3A_209 : i32
          %mul3A_211 = arith.constant 256 : i32
          %mul3A_212 = arith.muli %sub3A_210, %mul3A_211 : i32
          %add3A_213 = arith.addi %mul3A_2, %mul3A_212 : i32
          %dma_wait3A_214 = arith.constant 0 : i32
          %dma_wait3A_215 = tpu.memref_slice %arg6[%add3A_213, %dma_wait3A_214] : memref<819200x128xf32, #tpu.memory_space<hbm>> -> memref<256x64xf32, #tpu.memory_space<hbm>>
          %dma_wait3A_216 = arith.constant 0 : i32
          %dma_wait3A_217 = tpu.memref_slice %arg6[%add3A_213, %dma_wait3A_216] : memref<819200x128xf32, #tpu.memory_space<hbm>> -> memref<256x64xf32, #tpu.memory_space<hbm>>
          tpu.wait_dma2 semaphore(%arg24 : memref<!tpu.dma_semaphore, #tpu.memory_space<semaphore_mem>>) src(%arg11 : memref<256x64xf32, #tpu.memory_space<vmem>>) dst(%dma_wait3A_217 : memref<256x64xf32, #tpu.memory_space<hbm>>)
        } else {
        }
        %dma_start3A = arith.constant 0 : i32
        %dma_start3A_169 = arith.constant 0 : i32
        %dma_start3A_170 = arith.constant 0 : i32
        %dma_start3A_171 = tpu.memref_slice %arg11[%dma_start3A_169, %dma_start3A_170] : memref<256x64xf32, #tpu.memory_space<vmem>> -> memref<128x64xf32, #tpu.memory_space<vmem>>
        %dma_start3A_172 = arith.constant 0 : i32
        %dma_start3A_173 = tpu.memref_slice %arg7[%dma_start3A, %dma_start3A_172] : memref<2x256xi32, #tpu.memory_space<vmem>> -> memref<1x128xi32, #tpu.memory_space<vmem>>
        %dma_start3A_174 = tpu.memref_squeeze %dma_start3A_173 : memref<1x128xi32, #tpu.memory_space<vmem>> -> memref<128xi32, #tpu.memory_space<vmem>>
        %dma_start3A_175 = arith.constant 0 : i32
        %dma_start3A_176 = arith.constant 0 : i32
        %dma_start3A_177 = tpu.memref_slice %arg15[%dma_start3A_175, %dma_start3A_176] : memref<1024x64xf32, #tpu.memory_space<vmem_shared>> -> memref<1024x64xf32, #tpu.memory_space<vmem_shared>>
        tpu.enqueue_indirect_dma source(%dma_start3A_177 : memref<1024x64xf32, #tpu.memory_space<vmem_shared>>) target(%dma_start3A_171 : memref<128x64xf32, #tpu.memory_space<vmem>>) offsets(%dma_start3A_174 : memref<128xi32, #tpu.memory_space<vmem>>) semaphore(%arg20 : memref<!tpu.dma_semaphore, #tpu.memory_space<semaphore_mem>>)
        %dma_start3A_178 = arith.constant 0 : i32
        %dma_start3A_179 = arith.constant 128 : i32
        %dma_start3A_180 = arith.constant 0 : i32
        %dma_start3A_181 = tpu.memref_slice %arg11[%dma_start3A_179, %dma_start3A_180] : memref<256x64xf32, #tpu.memory_space<vmem>> -> memref<128x64xf32, #tpu.memory_space<vmem>>
        %dma_start3A_182 = arith.constant 128 : i32
        %dma_start3A_183 = tpu.memref_slice %arg7[%dma_start3A_178, %dma_start3A_182] : memref<2x256xi32, #tpu.memory_space<vmem>> -> memref<1x128xi32, #tpu.memory_space<vmem>>
        %dma_start3A_184 = tpu.memref_squeeze %dma_start3A_183 : memref<1x128xi32, #tpu.memory_space<vmem>> -> memref<128xi32, #tpu.memory_space<vmem>>
        %dma_start3A_185 = arith.constant 0 : i32
        %dma_start3A_186 = arith.constant 0 : i32
        %dma_start3A_187 = tpu.memref_slice %arg15[%dma_start3A_185, %dma_start3A_186] : memref<1024x64xf32, #tpu.memory_space<vmem_shared>> -> memref<1024x64xf32, #tpu.memory_space<vmem_shared>>
        tpu.enqueue_indirect_dma source(%dma_start3A_187 : memref<1024x64xf32, #tpu.memory_space<vmem_shared>>) target(%dma_start3A_181 : memref<128x64xf32, #tpu.memory_space<vmem>>) offsets(%dma_start3A_184 : memref<128xi32, #tpu.memory_space<vmem>>) semaphore(%arg20 : memref<!tpu.dma_semaphore, #tpu.memory_space<semaphore_mem>>)
      } else {
      }
      %ge3A = arith.constant 1 : i32
      %ge3A_60 = arith.cmpi sge, %add3A_57, %ge3A : i32
      %sub3A = arith.constant 1 : i32
      %sub3A_61 = arith.subi %add3A_57, %sub3A : i32
      %lt3A_62 = arith.constant 100 : i32
      %lt3A_63 = arith.cmpi slt, %sub3A_61, %lt3A_62 : i32
      %and3A = arith.andi %ge3A_60, %lt3A_63 : i1
      %convert_element_type3A_64 = arith.extui %and3A : i1 to i32
      %cond3A_65 = arith.constant 0 : i32
      %cond3A_66 = arith.cmpi ne, %convert_element_type3A_64, %cond3A_65 : i32
      scf.if %cond3A_66 {
        %dma_wait3A_164 = arith.constant 0 : i32
        %dma_wait3A_165 = arith.constant 0 : i32
        %dma_wait3A_166 = arith.constant 0 : i32
        %dma_wait3A_167 = tpu.memref_slice %arg14[%dma_wait3A_165, %dma_wait3A_166] : memref<256x64xf32, #tpu.memory_space<vmem>> -> memref<128x64xf32, #tpu.memory_space<vmem>>
        %dma_wait3A_168 = arith.constant 0 : i32
        %dma_wait3A_169 = tpu.memref_slice %arg10[%dma_wait3A_164, %dma_wait3A_168] : memref<2x256xi32, #tpu.memory_space<vmem>> -> memref<1x128xi32, #tpu.memory_space<vmem>>
        %dma_wait3A_170 = tpu.memref_squeeze %dma_wait3A_169 : memref<1x128xi32, #tpu.memory_space<vmem>> -> memref<128xi32, #tpu.memory_space<vmem>>
        %dma_wait3A_171 = arith.constant 0 : i32
        %dma_wait3A_172 = arith.constant 0 : i32
        %dma_wait3A_173 = tpu.memref_slice %arg15[%dma_wait3A_171, %dma_wait3A_172] : memref<1024x64xf32, #tpu.memory_space<vmem_shared>> -> memref<1024x64xf32, #tpu.memory_space<vmem_shared>>
        tpu.wait_indirect_dma semaphore(%arg23 : memref<!tpu.dma_semaphore, #tpu.memory_space<semaphore_mem>>) src(%dma_wait3A_173 : memref<1024x64xf32, #tpu.memory_space<vmem_shared>>) dst(%dma_wait3A_167 : memref<128x64xf32, #tpu.memory_space<vmem>>)
        %dma_wait3A_174 = arith.constant 0 : i32
        %dma_wait3A_175 = arith.constant 128 : i32
        %dma_wait3A_176 = arith.constant 0 : i32
        %dma_wait3A_177 = tpu.memref_slice %arg14[%dma_wait3A_175, %dma_wait3A_176] : memref<256x64xf32, #tpu.memory_space<vmem>> -> memref<128x64xf32, #tpu.memory_space<vmem>>
        %dma_wait3A_178 = arith.constant 128 : i32
        %dma_wait3A_179 = tpu.memref_slice %arg10[%dma_wait3A_174, %dma_wait3A_178] : memref<2x256xi32, #tpu.memory_space<vmem>> -> memref<1x128xi32, #tpu.memory_space<vmem>>
        %dma_wait3A_180 = tpu.memref_squeeze %dma_wait3A_179 : memref<1x128xi32, #tpu.memory_space<vmem>> -> memref<128xi32, #tpu.memory_space<vmem>>
        %dma_wait3A_181 = arith.constant 0 : i32
        %dma_wait3A_182 = arith.constant 0 : i32
        %dma_wait3A_183 = tpu.memref_slice %arg15[%dma_wait3A_181, %dma_wait3A_182] : memref<1024x64xf32, #tpu.memory_space<vmem_shared>> -> memref<1024x64xf32, #tpu.memory_space<vmem_shared>>
        tpu.wait_indirect_dma semaphore(%arg23 : memref<!tpu.dma_semaphore, #tpu.memory_space<semaphore_mem>>) src(%dma_wait3A_183 : memref<1024x64xf32, #tpu.memory_space<vmem_shared>>) dst(%dma_wait3A_177 : memref<128x64xf32, #tpu.memory_space<vmem>>)
        %dma_start3A = arith.constant 1 : i32
        %dma_start3A_184 = arith.constant 0 : i32
        %dma_start3A_185 = arith.constant 0 : i32
        %dma_start3A_186 = tpu.memref_slice %arg14[%dma_start3A_184, %dma_start3A_185] : memref<256x64xf32, #tpu.memory_space<vmem>> -> memref<128x64xf32, #tpu.memory_space<vmem>>
        %dma_start3A_187 = arith.constant 0 : i32
        %dma_start3A_188 = tpu.memref_slice %arg10[%dma_start3A, %dma_start3A_187] : memref<2x256xi32, #tpu.memory_space<vmem>> -> memref<1x128xi32, #tpu.memory_space<vmem>>
        %dma_start3A_189 = tpu.memref_squeeze %dma_start3A_188 : memref<1x128xi32, #tpu.memory_space<vmem>> -> memref<128xi32, #tpu.memory_space<vmem>>
        %dma_start3A_190 = arith.constant 0 : i32
        %dma_start3A_191 = arith.constant 0 : i32
        %dma_start3A_192 = tpu.memref_slice %arg3[%dma_start3A_190, %dma_start3A_191] : memref<100000x64xf32, #tpu.memory_space<hbm>> -> memref<100000x64xf32, #tpu.memory_space<hbm>>
        tpu.enqueue_indirect_dma source(%dma_start3A_192 : memref<100000x64xf32, #tpu.memory_space<hbm>>) target(%dma_start3A_186 : memref<128x64xf32, #tpu.memory_space<vmem>>) offsets(%dma_start3A_189 : memref<128xi32, #tpu.memory_space<vmem>>) semaphore(%arg23 : memref<!tpu.dma_semaphore, #tpu.memory_space<semaphore_mem>>) {add = true}
        %dma_start3A_193 = arith.constant 1 : i32
        %dma_start3A_194 = arith.constant 128 : i32
        %dma_start3A_195 = arith.constant 0 : i32
        %dma_start3A_196 = tpu.memref_slice %arg14[%dma_start3A_194, %dma_start3A_195] : memref<256x64xf32, #tpu.memory_space<vmem>> -> memref<128x64xf32, #tpu.memory_space<vmem>>
        %dma_start3A_197 = arith.constant 128 : i32
        %dma_start3A_198 = tpu.memref_slice %arg10[%dma_start3A_193, %dma_start3A_197] : memref<2x256xi32, #tpu.memory_space<vmem>> -> memref<1x128xi32, #tpu.memory_space<vmem>>
        %dma_start3A_199 = tpu.memref_squeeze %dma_start3A_198 : memref<1x128xi32, #tpu.memory_space<vmem>> -> memref<128xi32, #tpu.memory_space<vmem>>
        %dma_start3A_200 = arith.constant 0 : i32
        %dma_start3A_201 = arith.constant 0 : i32
        %dma_start3A_202 = tpu.memref_slice %arg3[%dma_start3A_200, %dma_start3A_201] : memref<100000x64xf32, #tpu.memory_space<hbm>> -> memref<100000x64xf32, #tpu.memory_space<hbm>>
        tpu.enqueue_indirect_dma source(%dma_start3A_202 : memref<100000x64xf32, #tpu.memory_space<hbm>>) target(%dma_start3A_196 : memref<128x64xf32, #tpu.memory_space<vmem>>) offsets(%dma_start3A_199 : memref<128xi32, #tpu.memory_space<vmem>>) semaphore(%arg23 : memref<!tpu.dma_semaphore, #tpu.memory_space<semaphore_mem>>) {add = true}
      } else {
      }
      %ge3A_67 = arith.constant 2 : i32
      %ge3A_68 = arith.cmpi sge, %add3A_57, %ge3A_67 : i32
      %sub3A_69 = arith.constant 2 : i32
      %sub3A_70 = arith.subi %add3A_57, %sub3A_69 : i32
      %lt3A_71 = arith.constant 100 : i32
      %lt3A_72 = arith.cmpi slt, %sub3A_70, %lt3A_71 : i32
      %and3A_73 = arith.andi %ge3A_68, %lt3A_72 : i1
      %convert_element_type3A_74 = arith.extui %and3A_73 : i1 to i32
      %cond3A_75 = arith.constant 0 : i32
      %cond3A_76 = arith.cmpi ne, %convert_element_type3A_74, %cond3A_75 : i32
      scf.if %cond3A_76 {
        %dma_wait3A_164 = arith.constant 1 : i32
        %dma_wait3A_165 = arith.constant 0 : i32
        %dma_wait3A_166 = arith.constant 0 : i32
        %dma_wait3A_167 = tpu.memref_slice %arg13[%dma_wait3A_165, %dma_wait3A_166] : memref<256x64xf32, #tpu.memory_space<vmem>> -> memref<128x64xf32, #tpu.memory_space<vmem>>
        %dma_wait3A_168 = arith.constant 0 : i32
        %dma_wait3A_169 = tpu.memref_slice %arg9[%dma_wait3A_164, %dma_wait3A_168] : memref<2x256xi32, #tpu.memory_space<vmem>> -> memref<1x128xi32, #tpu.memory_space<vmem>>
        %dma_wait3A_170 = tpu.memref_squeeze %dma_wait3A_169 : memref<1x128xi32, #tpu.memory_space<vmem>> -> memref<128xi32, #tpu.memory_space<vmem>>
        %dma_wait3A_171 = arith.constant 0 : i32
        %dma_wait3A_172 = arith.constant 0 : i32
        %dma_wait3A_173 = tpu.memref_slice %arg3[%dma_wait3A_171, %dma_wait3A_172] : memref<100000x64xf32, #tpu.memory_space<hbm>> -> memref<100000x64xf32, #tpu.memory_space<hbm>>
        tpu.wait_indirect_dma semaphore(%arg22 : memref<!tpu.dma_semaphore, #tpu.memory_space<semaphore_mem>>) src(%dma_wait3A_173 : memref<100000x64xf32, #tpu.memory_space<hbm>>) dst(%dma_wait3A_167 : memref<128x64xf32, #tpu.memory_space<vmem>>)
        %dma_wait3A_174 = arith.constant 1 : i32
        %dma_wait3A_175 = arith.constant 128 : i32
        %dma_wait3A_176 = arith.constant 0 : i32
        %dma_wait3A_177 = tpu.memref_slice %arg13[%dma_wait3A_175, %dma_wait3A_176] : memref<256x64xf32, #tpu.memory_space<vmem>> -> memref<128x64xf32, #tpu.memory_space<vmem>>
        %dma_wait3A_178 = arith.constant 128 : i32
        %dma_wait3A_179 = tpu.memref_slice %arg9[%dma_wait3A_174, %dma_wait3A_178] : memref<2x256xi32, #tpu.memory_space<vmem>> -> memref<1x128xi32, #tpu.memory_space<vmem>>
        %dma_wait3A_180 = tpu.memref_squeeze %dma_wait3A_179 : memref<1x128xi32, #tpu.memory_space<vmem>> -> memref<128xi32, #tpu.memory_space<vmem>>
        %dma_wait3A_181 = arith.constant 0 : i32
        %dma_wait3A_182 = arith.constant 0 : i32
        %dma_wait3A_183 = tpu.memref_slice %arg3[%dma_wait3A_181, %dma_wait3A_182] : memref<100000x64xf32, #tpu.memory_space<hbm>> -> memref<100000x64xf32, #tpu.memory_space<hbm>>
        tpu.wait_indirect_dma semaphore(%arg22 : memref<!tpu.dma_semaphore, #tpu.memory_space<semaphore_mem>>) src(%dma_wait3A_183 : memref<100000x64xf32, #tpu.memory_space<hbm>>) dst(%dma_wait3A_177 : memref<128x64xf32, #tpu.memory_space<vmem>>)
        %sub3A_184 = arith.constant 2 : i32
        %sub3A_185 = arith.subi %add3A_57, %sub3A_184 : i32
        %mul3A_186 = arith.constant 256 : i32
        %mul3A_187 = arith.muli %sub3A_185, %mul3A_186 : i32
        %add3A_188 = arith.addi %mul3A_2, %mul3A_187 : i32
        %dma_start3A = arith.constant 0 : i32
        %dma_start3A_189 = tpu.memref_slice %arg6[%add3A_188, %dma_start3A] : memref<819200x128xf32, #tpu.memory_space<hbm>> -> memref<256x64xf32, #tpu.memory_space<hbm>>
        %dma_start3A_190 = arith.constant 0 : i32
        %dma_start3A_191 = tpu.memref_slice %arg6[%add3A_188, %dma_start3A_190] : memref<819200x128xf32, #tpu.memory_space<hbm>> -> memref<256x64xf32, #tpu.memory_space<hbm>>
        tpu.enqueue_dma source(%arg13 : memref<256x64xf32, #tpu.memory_space<vmem>>) target(%dma_start3A_191 : memref<256x64xf32, #tpu.memory_space<hbm>>) target_semaphore(%arg26 : memref<!tpu.dma_semaphore, #tpu.memory_space<semaphore_mem>>)
        %add3A_192 = arith.constant 2 : i32
        %add3A_193 = arith.addi %add3A_57, %add3A_192 : i32
        %lt3A_194 = arith.constant 100 : i32
        %lt3A_195 = arith.cmpi slt, %add3A_193, %lt3A_194 : i32
        %convert_element_type3A_196 = arith.extui %lt3A_195 : i1 to i32
        %cond3A_197 = arith.constant 0 : i32
        %cond3A_198 = arith.cmpi ne, %convert_element_type3A_196, %cond3A_197 : i32
        scf.if %cond3A_198 {
          %add3A_199 = arith.constant 2 : i32
          %add3A_200 = arith.addi %add3A_57, %add3A_199 : i32
          %mul3A_201 = arith.constant 256 : i32
          %mul3A_202 = arith.muli %add3A_200, %mul3A_201 : i32
          %add3A_203 = arith.addi %mul3A_2, %mul3A_202 : i32
          %dma_start3A_204 = arith.constant 0 : i32
          %dma_start3A_205 = arith.constant 0 : i32
          %dma_start3A_206 = tpu.memref_slice %arg9[%dma_start3A_204, %dma_start3A_205] : memref<2x256xi32, #tpu.memory_space<vmem>> -> memref<1x256xi32, #tpu.memory_space<vmem>>
          %dma_start3A_207 = tpu.memref_squeeze %dma_start3A_206 : memref<1x256xi32, #tpu.memory_space<vmem>> -> memref<256xi32, #tpu.memory_space<vmem>>
          %dma_start3A_208 = tpu.memref_slice %arg4[%add3A_203] : memref<819200xi32, #tpu.memory_space<hbm>> -> memref<256xi32, #tpu.memory_space<hbm>>
          %dma_start3A_209 = arith.constant 0 : i32
          %dma_start3A_210 = tpu.memref_slice %arg9[%dma_start3A_204, %dma_start3A_209] : memref<2x256xi32, #tpu.memory_space<vmem>> -> memref<1x256xi32, #tpu.memory_space<vmem>>
          %dma_start3A_211 = tpu.memref_squeeze %dma_start3A_210 : memref<1x256xi32, #tpu.memory_space<vmem>> -> memref<256xi32, #tpu.memory_space<vmem>>
          %dma_start3A_212 = tpu.memref_slice %arg4[%add3A_203] : memref<819200xi32, #tpu.memory_space<hbm>> -> memref<256xi32, #tpu.memory_space<hbm>>
          tpu.enqueue_dma source(%dma_start3A_212 : memref<256xi32, #tpu.memory_space<hbm>>) target(%dma_start3A_211 : memref<256xi32, #tpu.memory_space<vmem>>) target_semaphore(%arg18 : memref<!tpu.dma_semaphore, #tpu.memory_space<semaphore_mem>>)
          %dma_start3A_213 = arith.constant 1 : i32
          %dma_start3A_214 = arith.constant 0 : i32
          %dma_start3A_215 = tpu.memref_slice %arg9[%dma_start3A_213, %dma_start3A_214] : memref<2x256xi32, #tpu.memory_space<vmem>> -> memref<1x256xi32, #tpu.memory_space<vmem>>
          %dma_start3A_216 = tpu.memref_squeeze %dma_start3A_215 : memref<1x256xi32, #tpu.memory_space<vmem>> -> memref<256xi32, #tpu.memory_space<vmem>>
          %dma_start3A_217 = tpu.memref_slice %arg5[%add3A_203] : memref<819200xi32, #tpu.memory_space<hbm>> -> memref<256xi32, #tpu.memory_space<hbm>>
          %dma_start3A_218 = arith.constant 0 : i32
          %dma_start3A_219 = tpu.memref_slice %arg9[%dma_start3A_213, %dma_start3A_218] : memref<2x256xi32, #tpu.memory_space<vmem>> -> memref<1x256xi32, #tpu.memory_space<vmem>>
          %dma_start3A_220 = tpu.memref_squeeze %dma_start3A_219 : memref<1x256xi32, #tpu.memory_space<vmem>> -> memref<256xi32, #tpu.memory_space<vmem>>
          %dma_start3A_221 = tpu.memref_slice %arg5[%add3A_203] : memref<819200xi32, #tpu.memory_space<hbm>> -> memref<256xi32, #tpu.memory_space<hbm>>
          tpu.enqueue_dma source(%dma_start3A_221 : memref<256xi32, #tpu.memory_space<hbm>>) target(%dma_start3A_220 : memref<256xi32, #tpu.memory_space<vmem>>) target_semaphore(%arg18 : memref<!tpu.dma_semaphore, #tpu.memory_space<semaphore_mem>>)
        } else {
        }
      } else {
      }
      %mul3A_77 = arith.constant 4 : i32
      %mul3A_78 = arith.muli %mul3A_77, %add3A_53 : i32
      %add3A_79 = arith.constant 1 : i32
      %add3A_80 = arith.addi %mul3A_78, %add3A_79 : i32
      %lt3A_81 = arith.constant 100 : i32
      %lt3A_82 = arith.cmpi slt, %add3A_80, %lt3A_81 : i32
      %convert_element_type3A_83 = arith.extui %lt3A_82 : i1 to i32
      %cond3A_84 = arith.constant 0 : i32
      %cond3A_85 = arith.cmpi ne, %convert_element_type3A_83, %cond3A_84 : i32
      scf.if %cond3A_85 {
        %ge3A_164 = arith.constant 4 : i32
        %ge3A_165 = arith.cmpi sge, %add3A_80, %ge3A_164 : i32
        %convert_element_type3A_166 = arith.extui %ge3A_165 : i1 to i32
        %cond3A_167 = arith.constant 0 : i32
        %cond3A_168 = arith.cmpi ne, %convert_element_type3A_166, %cond3A_167 : i32
        scf.if %cond3A_168 {
          %mul3A_188 = arith.constant 256 : i32
          %mul3A_189 = arith.muli %add3A_80, %mul3A_188 : i32
          %add3A_190 = arith.addi %mul3A_2, %mul3A_189 : i32
          %dma_wait3A_191 = arith.constant 0 : i32
          %dma_wait3A_192 = arith.constant 0 : i32
          %dma_wait3A_193 = tpu.memref_slice %arg8[%dma_wait3A_191, %dma_wait3A_192] : memref<2x256xi32, #tpu.memory_space<vmem>> -> memref<1x256xi32, #tpu.memory_space<vmem>>
          %dma_wait3A_194 = tpu.memref_squeeze %dma_wait3A_193 : memref<1x256xi32, #tpu.memory_space<vmem>> -> memref<256xi32, #tpu.memory_space<vmem>>
          %dma_wait3A_195 = tpu.memref_slice %arg4[%add3A_190] : memref<819200xi32, #tpu.memory_space<hbm>> -> memref<256xi32, #tpu.memory_space<hbm>>
          %dma_wait3A_196 = arith.constant 0 : i32
          %dma_wait3A_197 = tpu.memref_slice %arg8[%dma_wait3A_191, %dma_wait3A_196] : memref<2x256xi32, #tpu.memory_space<vmem>> -> memref<1x256xi32, #tpu.memory_space<vmem>>
          %dma_wait3A_198 = tpu.memref_squeeze %dma_wait3A_197 : memref<1x256xi32, #tpu.memory_space<vmem>> -> memref<256xi32, #tpu.memory_space<vmem>>
          %dma_wait3A_199 = tpu.memref_slice %arg4[%add3A_190] : memref<819200xi32, #tpu.memory_space<hbm>> -> memref<256xi32, #tpu.memory_space<hbm>>
          tpu.wait_dma2 semaphore(%arg17 : memref<!tpu.dma_semaphore, #tpu.memory_space<semaphore_mem>>) src(%dma_wait3A_199 : memref<256xi32, #tpu.memory_space<hbm>>) dst(%dma_wait3A_198 : memref<256xi32, #tpu.memory_space<vmem>>)
          %dma_wait3A_200 = arith.constant 1 : i32
          %dma_wait3A_201 = arith.constant 0 : i32
          %dma_wait3A_202 = tpu.memref_slice %arg8[%dma_wait3A_200, %dma_wait3A_201] : memref<2x256xi32, #tpu.memory_space<vmem>> -> memref<1x256xi32, #tpu.memory_space<vmem>>
          %dma_wait3A_203 = tpu.memref_squeeze %dma_wait3A_202 : memref<1x256xi32, #tpu.memory_space<vmem>> -> memref<256xi32, #tpu.memory_space<vmem>>
          %dma_wait3A_204 = tpu.memref_slice %arg5[%add3A_190] : memref<819200xi32, #tpu.memory_space<hbm>> -> memref<256xi32, #tpu.memory_space<hbm>>
          %dma_wait3A_205 = arith.constant 0 : i32
          %dma_wait3A_206 = tpu.memref_slice %arg8[%dma_wait3A_200, %dma_wait3A_205] : memref<2x256xi32, #tpu.memory_space<vmem>> -> memref<1x256xi32, #tpu.memory_space<vmem>>
          %dma_wait3A_207 = tpu.memref_squeeze %dma_wait3A_206 : memref<1x256xi32, #tpu.memory_space<vmem>> -> memref<256xi32, #tpu.memory_space<vmem>>
          %dma_wait3A_208 = tpu.memref_slice %arg5[%add3A_190] : memref<819200xi32, #tpu.memory_space<hbm>> -> memref<256xi32, #tpu.memory_space<hbm>>
          tpu.wait_dma2 semaphore(%arg17 : memref<!tpu.dma_semaphore, #tpu.memory_space<semaphore_mem>>) src(%dma_wait3A_208 : memref<256xi32, #tpu.memory_space<hbm>>) dst(%dma_wait3A_207 : memref<256xi32, #tpu.memory_space<vmem>>)
          %sub3A_209 = arith.constant 4 : i32
          %sub3A_210 = arith.subi %add3A_80, %sub3A_209 : i32
          %mul3A_211 = arith.constant 256 : i32
          %mul3A_212 = arith.muli %sub3A_210, %mul3A_211 : i32
          %add3A_213 = arith.addi %mul3A_2, %mul3A_212 : i32
          %dma_wait3A_214 = arith.constant 0 : i32
          %dma_wait3A_215 = tpu.memref_slice %arg6[%add3A_213, %dma_wait3A_214] : memref<819200x128xf32, #tpu.memory_space<hbm>> -> memref<256x64xf32, #tpu.memory_space<hbm>>
          %dma_wait3A_216 = arith.constant 0 : i32
          %dma_wait3A_217 = tpu.memref_slice %arg6[%add3A_213, %dma_wait3A_216] : memref<819200x128xf32, #tpu.memory_space<hbm>> -> memref<256x64xf32, #tpu.memory_space<hbm>>
          tpu.wait_dma2 semaphore(%arg25 : memref<!tpu.dma_semaphore, #tpu.memory_space<semaphore_mem>>) src(%arg12 : memref<256x64xf32, #tpu.memory_space<vmem>>) dst(%dma_wait3A_217 : memref<256x64xf32, #tpu.memory_space<hbm>>)
        } else {
        }
        %dma_start3A = arith.constant 0 : i32
        %dma_start3A_169 = arith.constant 0 : i32
        %dma_start3A_170 = arith.constant 0 : i32
        %dma_start3A_171 = tpu.memref_slice %arg12[%dma_start3A_169, %dma_start3A_170] : memref<256x64xf32, #tpu.memory_space<vmem>> -> memref<128x64xf32, #tpu.memory_space<vmem>>
        %dma_start3A_172 = arith.constant 0 : i32
        %dma_start3A_173 = tpu.memref_slice %arg8[%dma_start3A, %dma_start3A_172] : memref<2x256xi32, #tpu.memory_space<vmem>> -> memref<1x128xi32, #tpu.memory_space<vmem>>
        %dma_start3A_174 = tpu.memref_squeeze %dma_start3A_173 : memref<1x128xi32, #tpu.memory_space<vmem>> -> memref<128xi32, #tpu.memory_space<vmem>>
        %dma_start3A_175 = arith.constant 0 : i32
        %dma_start3A_176 = arith.constant 0 : i32
        %dma_start3A_177 = tpu.memref_slice %arg15[%dma_start3A_175, %dma_start3A_176] : memref<1024x64xf32, #tpu.memory_space<vmem_shared>> -> memref<1024x64xf32, #tpu.memory_space<vmem_shared>>
        tpu.enqueue_indirect_dma source(%dma_start3A_177 : memref<1024x64xf32, #tpu.memory_space<vmem_shared>>) target(%dma_start3A_171 : memref<128x64xf32, #tpu.memory_space<vmem>>) offsets(%dma_start3A_174 : memref<128xi32, #tpu.memory_space<vmem>>) semaphore(%arg21 : memref<!tpu.dma_semaphore, #tpu.memory_space<semaphore_mem>>)
        %dma_start3A_178 = arith.constant 0 : i32
        %dma_start3A_179 = arith.constant 128 : i32
        %dma_start3A_180 = arith.constant 0 : i32
        %dma_start3A_181 = tpu.memref_slice %arg12[%dma_start3A_179, %dma_start3A_180] : memref<256x64xf32, #tpu.memory_space<vmem>> -> memref<128x64xf32, #tpu.memory_space<vmem>>
        %dma_start3A_182 = arith.constant 128 : i32
        %dma_start3A_183 = tpu.memref_slice %arg8[%dma_start3A_178, %dma_start3A_182] : memref<2x256xi32, #tpu.memory_space<vmem>> -> memref<1x128xi32, #tpu.memory_space<vmem>>
        %dma_start3A_184 = tpu.memref_squeeze %dma_start3A_183 : memref<1x128xi32, #tpu.memory_space<vmem>> -> memref<128xi32, #tpu.memory_space<vmem>>
        %dma_start3A_185 = arith.constant 0 : i32
        %dma_start3A_186 = arith.constant 0 : i32
        %dma_start3A_187 = tpu.memref_slice %arg15[%dma_start3A_185, %dma_start3A_186] : memref<1024x64xf32, #tpu.memory_space<vmem_shared>> -> memref<1024x64xf32, #tpu.memory_space<vmem_shared>>
        tpu.enqueue_indirect_dma source(%dma_start3A_187 : memref<1024x64xf32, #tpu.memory_space<vmem_shared>>) target(%dma_start3A_181 : memref<128x64xf32, #tpu.memory_space<vmem>>) offsets(%dma_start3A_184 : memref<128xi32, #tpu.memory_space<vmem>>) semaphore(%arg21 : memref<!tpu.dma_semaphore, #tpu.memory_space<semaphore_mem>>)
      } else {
      }
      %ge3A_86 = arith.constant 1 : i32
      %ge3A_87 = arith.cmpi sge, %add3A_80, %ge3A_86 : i32
      %sub3A_88 = arith.constant 1 : i32
      %sub3A_89 = arith.subi %add3A_80, %sub3A_88 : i32
      %lt3A_90 = arith.constant 100 : i32
      %lt3A_91 = arith.cmpi slt, %sub3A_89, %lt3A_90 : i32
      %and3A_92 = arith.andi %ge3A_87, %lt3A_91 : i1
      %convert_element_type3A_93 = arith.extui %and3A_92 : i1 to i32
      %cond3A_94 = arith.constant 0 : i32
      %cond3A_95 = arith.cmpi ne, %convert_element_type3A_93, %cond3A_94 : i32
      scf.if %cond3A_95 {
        %dma_wait3A_164 = arith.constant 0 : i32
        %dma_wait3A_165 = arith.constant 0 : i32
        %dma_wait3A_166 = arith.constant 0 : i32
        %dma_wait3A_167 = tpu.memref_slice %arg11[%dma_wait3A_165, %dma_wait3A_166] : memref<256x64xf32, #tpu.memory_space<vmem>> -> memref<128x64xf32, #tpu.memory_space<vmem>>
        %dma_wait3A_168 = arith.constant 0 : i32
        %dma_wait3A_169 = tpu.memref_slice %arg7[%dma_wait3A_164, %dma_wait3A_168] : memref<2x256xi32, #tpu.memory_space<vmem>> -> memref<1x128xi32, #tpu.memory_space<vmem>>
        %dma_wait3A_170 = tpu.memref_squeeze %dma_wait3A_169 : memref<1x128xi32, #tpu.memory_space<vmem>> -> memref<128xi32, #tpu.memory_space<vmem>>
        %dma_wait3A_171 = arith.constant 0 : i32
        %dma_wait3A_172 = arith.constant 0 : i32
        %dma_wait3A_173 = tpu.memref_slice %arg15[%dma_wait3A_171, %dma_wait3A_172] : memref<1024x64xf32, #tpu.memory_space<vmem_shared>> -> memref<1024x64xf32, #tpu.memory_space<vmem_shared>>
        tpu.wait_indirect_dma semaphore(%arg20 : memref<!tpu.dma_semaphore, #tpu.memory_space<semaphore_mem>>) src(%dma_wait3A_173 : memref<1024x64xf32, #tpu.memory_space<vmem_shared>>) dst(%dma_wait3A_167 : memref<128x64xf32, #tpu.memory_space<vmem>>)
        %dma_wait3A_174 = arith.constant 0 : i32
        %dma_wait3A_175 = arith.constant 128 : i32
        %dma_wait3A_176 = arith.constant 0 : i32
        %dma_wait3A_177 = tpu.memref_slice %arg11[%dma_wait3A_175, %dma_wait3A_176] : memref<256x64xf32, #tpu.memory_space<vmem>> -> memref<128x64xf32, #tpu.memory_space<vmem>>
        %dma_wait3A_178 = arith.constant 128 : i32
        %dma_wait3A_179 = tpu.memref_slice %arg7[%dma_wait3A_174, %dma_wait3A_178] : memref<2x256xi32, #tpu.memory_space<vmem>> -> memref<1x128xi32, #tpu.memory_space<vmem>>
        %dma_wait3A_180 = tpu.memref_squeeze %dma_wait3A_179 : memref<1x128xi32, #tpu.memory_space<vmem>> -> memref<128xi32, #tpu.memory_space<vmem>>
        %dma_wait3A_181 = arith.constant 0 : i32
        %dma_wait3A_182 = arith.constant 0 : i32
        %dma_wait3A_183 = tpu.memref_slice %arg15[%dma_wait3A_181, %dma_wait3A_182] : memref<1024x64xf32, #tpu.memory_space<vmem_shared>> -> memref<1024x64xf32, #tpu.memory_space<vmem_shared>>
        tpu.wait_indirect_dma semaphore(%arg20 : memref<!tpu.dma_semaphore, #tpu.memory_space<semaphore_mem>>) src(%dma_wait3A_183 : memref<1024x64xf32, #tpu.memory_space<vmem_shared>>) dst(%dma_wait3A_177 : memref<128x64xf32, #tpu.memory_space<vmem>>)
        %dma_start3A = arith.constant 1 : i32
        %dma_start3A_184 = arith.constant 0 : i32
        %dma_start3A_185 = arith.constant 0 : i32
        %dma_start3A_186 = tpu.memref_slice %arg11[%dma_start3A_184, %dma_start3A_185] : memref<256x64xf32, #tpu.memory_space<vmem>> -> memref<128x64xf32, #tpu.memory_space<vmem>>
        %dma_start3A_187 = arith.constant 0 : i32
        %dma_start3A_188 = tpu.memref_slice %arg7[%dma_start3A, %dma_start3A_187] : memref<2x256xi32, #tpu.memory_space<vmem>> -> memref<1x128xi32, #tpu.memory_space<vmem>>
        %dma_start3A_189 = tpu.memref_squeeze %dma_start3A_188 : memref<1x128xi32, #tpu.memory_space<vmem>> -> memref<128xi32, #tpu.memory_space<vmem>>
        %dma_start3A_190 = arith.constant 0 : i32
        %dma_start3A_191 = arith.constant 0 : i32
        %dma_start3A_192 = tpu.memref_slice %arg3[%dma_start3A_190, %dma_start3A_191] : memref<100000x64xf32, #tpu.memory_space<hbm>> -> memref<100000x64xf32, #tpu.memory_space<hbm>>
        tpu.enqueue_indirect_dma source(%dma_start3A_192 : memref<100000x64xf32, #tpu.memory_space<hbm>>) target(%dma_start3A_186 : memref<128x64xf32, #tpu.memory_space<vmem>>) offsets(%dma_start3A_189 : memref<128xi32, #tpu.memory_space<vmem>>) semaphore(%arg20 : memref<!tpu.dma_semaphore, #tpu.memory_space<semaphore_mem>>) {add = true}
        %dma_start3A_193 = arith.constant 1 : i32
        %dma_start3A_194 = arith.constant 128 : i32
        %dma_start3A_195 = arith.constant 0 : i32
        %dma_start3A_196 = tpu.memref_slice %arg11[%dma_start3A_194, %dma_start3A_195] : memref<256x64xf32, #tpu.memory_space<vmem>> -> memref<128x64xf32, #tpu.memory_space<vmem>>
        %dma_start3A_197 = arith.constant 128 : i32
        %dma_start3A_198 = tpu.memref_slice %arg7[%dma_start3A_193, %dma_start3A_197] : memref<2x256xi32, #tpu.memory_space<vmem>> -> memref<1x128xi32, #tpu.memory_space<vmem>>
        %dma_start3A_199 = tpu.memref_squeeze %dma_start3A_198 : memref<1x128xi32, #tpu.memory_space<vmem>> -> memref<128xi32, #tpu.memory_space<vmem>>
        %dma_start3A_200 = arith.constant 0 : i32
        %dma_start3A_201 = arith.constant 0 : i32
        %dma_start3A_202 = tpu.memref_slice %arg3[%dma_start3A_200, %dma_start3A_201] : memref<100000x64xf32, #tpu.memory_space<hbm>> -> memref<100000x64xf32, #tpu.memory_space<hbm>>
        tpu.enqueue_indirect_dma source(%dma_start3A_202 : memref<100000x64xf32, #tpu.memory_space<hbm>>) target(%dma_start3A_196 : memref<128x64xf32, #tpu.memory_space<vmem>>) offsets(%dma_start3A_199 : memref<128xi32, #tpu.memory_space<vmem>>) semaphore(%arg20 : memref<!tpu.dma_semaphore, #tpu.memory_space<semaphore_mem>>) {add = true}
      } else {
      }
      %ge3A_96 = arith.constant 2 : i32
      %ge3A_97 = arith.cmpi sge, %add3A_80, %ge3A_96 : i32
      %sub3A_98 = arith.constant 2 : i32
      %sub3A_99 = arith.subi %add3A_80, %sub3A_98 : i32
      %lt3A_100 = arith.constant 100 : i32
      %lt3A_101 = arith.cmpi slt, %sub3A_99, %lt3A_100 : i32
      %and3A_102 = arith.andi %ge3A_97, %lt3A_101 : i1
      %convert_element_type3A_103 = arith.extui %and3A_102 : i1 to i32
      %cond3A_104 = arith.constant 0 : i32
      %cond3A_105 = arith.cmpi ne, %convert_element_type3A_103, %cond3A_104 : i32
      scf.if %cond3A_105 {
        %dma_wait3A_164 = arith.constant 1 : i32
        %dma_wait3A_165 = arith.constant 0 : i32
        %dma_wait3A_166 = arith.constant 0 : i32
        %dma_wait3A_167 = tpu.memref_slice %arg14[%dma_wait3A_165, %dma_wait3A_166] : memref<256x64xf32, #tpu.memory_space<vmem>> -> memref<128x64xf32, #tpu.memory_space<vmem>>
        %dma_wait3A_168 = arith.constant 0 : i32
        %dma_wait3A_169 = tpu.memref_slice %arg10[%dma_wait3A_164, %dma_wait3A_168] : memref<2x256xi32, #tpu.memory_space<vmem>> -> memref<1x128xi32, #tpu.memory_space<vmem>>
        %dma_wait3A_170 = tpu.memref_squeeze %dma_wait3A_169 : memref<1x128xi32, #tpu.memory_space<vmem>> -> memref<128xi32, #tpu.memory_space<vmem>>
        %dma_wait3A_171 = arith.constant 0 : i32
        %dma_wait3A_172 = arith.constant 0 : i32
        %dma_wait3A_173 = tpu.memref_slice %arg3[%dma_wait3A_171, %dma_wait3A_172] : memref<100000x64xf32, #tpu.memory_space<hbm>> -> memref<100000x64xf32, #tpu.memory_space<hbm>>
        tpu.wait_indirect_dma semaphore(%arg23 : memref<!tpu.dma_semaphore, #tpu.memory_space<semaphore_mem>>) src(%dma_wait3A_173 : memref<100000x64xf32, #tpu.memory_space<hbm>>) dst(%dma_wait3A_167 : memref<128x64xf32, #tpu.memory_space<vmem>>)
        %dma_wait3A_174 = arith.constant 1 : i32
        %dma_wait3A_175 = arith.constant 128 : i32
        %dma_wait3A_176 = arith.constant 0 : i32
        %dma_wait3A_177 = tpu.memref_slice %arg14[%dma_wait3A_175, %dma_wait3A_176] : memref<256x64xf32, #tpu.memory_space<vmem>> -> memref<128x64xf32, #tpu.memory_space<vmem>>
        %dma_wait3A_178 = arith.constant 128 : i32
        %dma_wait3A_179 = tpu.memref_slice %arg10[%dma_wait3A_174, %dma_wait3A_178] : memref<2x256xi32, #tpu.memory_space<vmem>> -> memref<1x128xi32, #tpu.memory_space<vmem>>
        %dma_wait3A_180 = tpu.memref_squeeze %dma_wait3A_179 : memref<1x128xi32, #tpu.memory_space<vmem>> -> memref<128xi32, #tpu.memory_space<vmem>>
        %dma_wait3A_181 = arith.constant 0 : i32
        %dma_wait3A_182 = arith.constant 0 : i32
        %dma_wait3A_183 = tpu.memref_slice %arg3[%dma_wait3A_181, %dma_wait3A_182] : memref<100000x64xf32, #tpu.memory_space<hbm>> -> memref<100000x64xf32, #tpu.memory_space<hbm>>
        tpu.wait_indirect_dma semaphore(%arg23 : memref<!tpu.dma_semaphore, #tpu.memory_space<semaphore_mem>>) src(%dma_wait3A_183 : memref<100000x64xf32, #tpu.memory_space<hbm>>) dst(%dma_wait3A_177 : memref<128x64xf32, #tpu.memory_space<vmem>>)
        %sub3A_184 = arith.constant 2 : i32
        %sub3A_185 = arith.subi %add3A_80, %sub3A_184 : i32
        %mul3A_186 = arith.constant 256 : i32
        %mul3A_187 = arith.muli %sub3A_185, %mul3A_186 : i32
        %add3A_188 = arith.addi %mul3A_2, %mul3A_187 : i32
        %dma_start3A = arith.constant 0 : i32
        %dma_start3A_189 = tpu.memref_slice %arg6[%add3A_188, %dma_start3A] : memref<819200x128xf32, #tpu.memory_space<hbm>> -> memref<256x64xf32, #tpu.memory_space<hbm>>
        %dma_start3A_190 = arith.constant 0 : i32
        %dma_start3A_191 = tpu.memref_slice %arg6[%add3A_188, %dma_start3A_190] : memref<819200x128xf32, #tpu.memory_space<hbm>> -> memref<256x64xf32, #tpu.memory_space<hbm>>
        tpu.enqueue_dma source(%arg14 : memref<256x64xf32, #tpu.memory_space<vmem>>) target(%dma_start3A_191 : memref<256x64xf32, #tpu.memory_space<hbm>>) target_semaphore(%arg27 : memref<!tpu.dma_semaphore, #tpu.memory_space<semaphore_mem>>)
        %add3A_192 = arith.constant 2 : i32
        %add3A_193 = arith.addi %add3A_80, %add3A_192 : i32
        %lt3A_194 = arith.constant 100 : i32
        %lt3A_195 = arith.cmpi slt, %add3A_193, %lt3A_194 : i32
        %convert_element_type3A_196 = arith.extui %lt3A_195 : i1 to i32
        %cond3A_197 = arith.constant 0 : i32
        %cond3A_198 = arith.cmpi ne, %convert_element_type3A_196, %cond3A_197 : i32
        scf.if %cond3A_198 {
          %add3A_199 = arith.constant 2 : i32
          %add3A_200 = arith.addi %add3A_80, %add3A_199 : i32
          %mul3A_201 = arith.constant 256 : i32
          %mul3A_202 = arith.muli %add3A_200, %mul3A_201 : i32
          %add3A_203 = arith.addi %mul3A_2, %mul3A_202 : i32
          %dma_start3A_204 = arith.constant 0 : i32
          %dma_start3A_205 = arith.constant 0 : i32
          %dma_start3A_206 = tpu.memref_slice %arg10[%dma_start3A_204, %dma_start3A_205] : memref<2x256xi32, #tpu.memory_space<vmem>> -> memref<1x256xi32, #tpu.memory_space<vmem>>
          %dma_start3A_207 = tpu.memref_squeeze %dma_start3A_206 : memref<1x256xi32, #tpu.memory_space<vmem>> -> memref<256xi32, #tpu.memory_space<vmem>>
          %dma_start3A_208 = tpu.memref_slice %arg4[%add3A_203] : memref<819200xi32, #tpu.memory_space<hbm>> -> memref<256xi32, #tpu.memory_space<hbm>>
          %dma_start3A_209 = arith.constant 0 : i32
          %dma_start3A_210 = tpu.memref_slice %arg10[%dma_start3A_204, %dma_start3A_209] : memref<2x256xi32, #tpu.memory_space<vmem>> -> memref<1x256xi32, #tpu.memory_space<vmem>>
          %dma_start3A_211 = tpu.memref_squeeze %dma_start3A_210 : memref<1x256xi32, #tpu.memory_space<vmem>> -> memref<256xi32, #tpu.memory_space<vmem>>
          %dma_start3A_212 = tpu.memref_slice %arg4[%add3A_203] : memref<819200xi32, #tpu.memory_space<hbm>> -> memref<256xi32, #tpu.memory_space<hbm>>
          tpu.enqueue_dma source(%dma_start3A_212 : memref<256xi32, #tpu.memory_space<hbm>>) target(%dma_start3A_211 : memref<256xi32, #tpu.memory_space<vmem>>) target_semaphore(%arg19 : memref<!tpu.dma_semaphore, #tpu.memory_space<semaphore_mem>>)
          %dma_start3A_213 = arith.constant 1 : i32
          %dma_start3A_214 = arith.constant 0 : i32
          %dma_start3A_215 = tpu.memref_slice %arg10[%dma_start3A_213, %dma_start3A_214] : memref<2x256xi32, #tpu.memory_space<vmem>> -> memref<1x256xi32, #tpu.memory_space<vmem>>
          %dma_start3A_216 = tpu.memref_squeeze %dma_start3A_215 : memref<1x256xi32, #tpu.memory_space<vmem>> -> memref<256xi32, #tpu.memory_space<vmem>>
          %dma_start3A_217 = tpu.memref_slice %arg5[%add3A_203] : memref<819200xi32, #tpu.memory_space<hbm>> -> memref<256xi32, #tpu.memory_space<hbm>>
          %dma_start3A_218 = arith.constant 0 : i32
          %dma_start3A_219 = tpu.memref_slice %arg10[%dma_start3A_213, %dma_start3A_218] : memref<2x256xi32, #tpu.memory_space<vmem>> -> memref<1x256xi32, #tpu.memory_space<vmem>>
          %dma_start3A_220 = tpu.memref_squeeze %dma_start3A_219 : memref<1x256xi32, #tpu.memory_space<vmem>> -> memref<256xi32, #tpu.memory_space<vmem>>
          %dma_start3A_221 = tpu.memref_slice %arg5[%add3A_203] : memref<819200xi32, #tpu.memory_space<hbm>> -> memref<256xi32, #tpu.memory_space<hbm>>
          tpu.enqueue_dma source(%dma_start3A_221 : memref<256xi32, #tpu.memory_space<hbm>>) target(%dma_start3A_220 : memref<256xi32, #tpu.memory_space<vmem>>) target_semaphore(%arg19 : memref<!tpu.dma_semaphore, #tpu.memory_space<semaphore_mem>>)
        } else {
        }
      } else {
      }
      %mul3A_106 = arith.constant 4 : i32
      %mul3A_107 = arith.muli %mul3A_106, %add3A_53 : i32
      %add3A_108 = arith.constant 2 : i32
      %add3A_109 = arith.addi %mul3A_107, %add3A_108 : i32
      %lt3A_110 = arith.constant 100 : i32
      %lt3A_111 = arith.cmpi slt, %add3A_109, %lt3A_110 : i32
      %convert_element_type3A_112 = arith.extui %lt3A_111 : i1 to i32
      %cond3A_113 = arith.constant 0 : i32
      %cond3A_114 = arith.cmpi ne, %convert_element_type3A_112, %cond3A_113 : i32
      scf.if %cond3A_114 {
        %ge3A_164 = arith.constant 4 : i32
        %ge3A_165 = arith.cmpi sge, %add3A_109, %ge3A_164 : i32
        %convert_element_type3A_166 = arith.extui %ge3A_165 : i1 to i32
        %cond3A_167 = arith.constant 0 : i32
        %cond3A_168 = arith.cmpi ne, %convert_element_type3A_166, %cond3A_167 : i32
        scf.if %cond3A_168 {
          %mul3A_188 = arith.constant 256 : i32
          %mul3A_189 = arith.muli %add3A_109, %mul3A_188 : i32
          %add3A_190 = arith.addi %mul3A_2, %mul3A_189 : i32
          %dma_wait3A_191 = arith.constant 0 : i32
          %dma_wait3A_192 = arith.constant 0 : i32
          %dma_wait3A_193 = tpu.memref_slice %arg9[%dma_wait3A_191, %dma_wait3A_192] : memref<2x256xi32, #tpu.memory_space<vmem>> -> memref<1x256xi32, #tpu.memory_space<vmem>>
          %dma_wait3A_194 = tpu.memref_squeeze %dma_wait3A_193 : memref<1x256xi32, #tpu.memory_space<vmem>> -> memref<256xi32, #tpu.memory_space<vmem>>
          %dma_wait3A_195 = tpu.memref_slice %arg4[%add3A_190] : memref<819200xi32, #tpu.memory_space<hbm>> -> memref<256xi32, #tpu.memory_space<hbm>>
          %dma_wait3A_196 = arith.constant 0 : i32
          %dma_wait3A_197 = tpu.memref_slice %arg9[%dma_wait3A_191, %dma_wait3A_196] : memref<2x256xi32, #tpu.memory_space<vmem>> -> memref<1x256xi32, #tpu.memory_space<vmem>>
          %dma_wait3A_198 = tpu.memref_squeeze %dma_wait3A_197 : memref<1x256xi32, #tpu.memory_space<vmem>> -> memref<256xi32, #tpu.memory_space<vmem>>
          %dma_wait3A_199 = tpu.memref_slice %arg4[%add3A_190] : memref<819200xi32, #tpu.memory_space<hbm>> -> memref<256xi32, #tpu.memory_space<hbm>>
          tpu.wait_dma2 semaphore(%arg18 : memref<!tpu.dma_semaphore, #tpu.memory_space<semaphore_mem>>) src(%dma_wait3A_199 : memref<256xi32, #tpu.memory_space<hbm>>) dst(%dma_wait3A_198 : memref<256xi32, #tpu.memory_space<vmem>>)
          %dma_wait3A_200 = arith.constant 1 : i32
          %dma_wait3A_201 = arith.constant 0 : i32
          %dma_wait3A_202 = tpu.memref_slice %arg9[%dma_wait3A_200, %dma_wait3A_201] : memref<2x256xi32, #tpu.memory_space<vmem>> -> memref<1x256xi32, #tpu.memory_space<vmem>>
          %dma_wait3A_203 = tpu.memref_squeeze %dma_wait3A_202 : memref<1x256xi32, #tpu.memory_space<vmem>> -> memref<256xi32, #tpu.memory_space<vmem>>
          %dma_wait3A_204 = tpu.memref_slice %arg5[%add3A_190] : memref<819200xi32, #tpu.memory_space<hbm>> -> memref<256xi32, #tpu.memory_space<hbm>>
          %dma_wait3A_205 = arith.constant 0 : i32
          %dma_wait3A_206 = tpu.memref_slice %arg9[%dma_wait3A_200, %dma_wait3A_205] : memref<2x256xi32, #tpu.memory_space<vmem>> -> memref<1x256xi32, #tpu.memory_space<vmem>>
          %dma_wait3A_207 = tpu.memref_squeeze %dma_wait3A_206 : memref<1x256xi32, #tpu.memory_space<vmem>> -> memref<256xi32, #tpu.memory_space<vmem>>
          %dma_wait3A_208 = tpu.memref_slice %arg5[%add3A_190] : memref<819200xi32, #tpu.memory_space<hbm>> -> memref<256xi32, #tpu.memory_space<hbm>>
          tpu.wait_dma2 semaphore(%arg18 : memref<!tpu.dma_semaphore, #tpu.memory_space<semaphore_mem>>) src(%dma_wait3A_208 : memref<256xi32, #tpu.memory_space<hbm>>) dst(%dma_wait3A_207 : memref<256xi32, #tpu.memory_space<vmem>>)
          %sub3A_209 = arith.constant 4 : i32
          %sub3A_210 = arith.subi %add3A_109, %sub3A_209 : i32
          %mul3A_211 = arith.constant 256 : i32
          %mul3A_212 = arith.muli %sub3A_210, %mul3A_211 : i32
          %add3A_213 = arith.addi %mul3A_2, %mul3A_212 : i32
          %dma_wait3A_214 = arith.constant 0 : i32
          %dma_wait3A_215 = tpu.memref_slice %arg6[%add3A_213, %dma_wait3A_214] : memref<819200x128xf32, #tpu.memory_space<hbm>> -> memref<256x64xf32, #tpu.memory_space<hbm>>
          %dma_wait3A_216 = arith.constant 0 : i32
          %dma_wait3A_217 = tpu.memref_slice %arg6[%add3A_213, %dma_wait3A_216] : memref<819200x128xf32, #tpu.memory_space<hbm>> -> memref<256x64xf32, #tpu.memory_space<hbm>>
          tpu.wait_dma2 semaphore(%arg26 : memref<!tpu.dma_semaphore, #tpu.memory_space<semaphore_mem>>) src(%arg13 : memref<256x64xf32, #tpu.memory_space<vmem>>) dst(%dma_wait3A_217 : memref<256x64xf32, #tpu.memory_space<hbm>>)
        } else {
        }
        %dma_start3A = arith.constant 0 : i32
        %dma_start3A_169 = arith.constant 0 : i32
        %dma_start3A_170 = arith.constant 0 : i32
        %dma_start3A_171 = tpu.memref_slice %arg13[%dma_start3A_169, %dma_start3A_170] : memref<256x64xf32, #tpu.memory_space<vmem>> -> memref<128x64xf32, #tpu.memory_space<vmem>>
        %dma_start3A_172 = arith.constant 0 : i32
        %dma_start3A_173 = tpu.memref_slice %arg9[%dma_start3A, %dma_start3A_172] : memref<2x256xi32, #tpu.memory_space<vmem>> -> memref<1x128xi32, #tpu.memory_space<vmem>>
        %dma_start3A_174 = tpu.memref_squeeze %dma_start3A_173 : memref<1x128xi32, #tpu.memory_space<vmem>> -> memref<128xi32, #tpu.memory_space<vmem>>
        %dma_start3A_175 = arith.constant 0 : i32
        %dma_start3A_176 = arith.constant 0 : i32
        %dma_start3A_177 = tpu.memref_slice %arg15[%dma_start3A_175, %dma_start3A_176] : memref<1024x64xf32, #tpu.memory_space<vmem_shared>> -> memref<1024x64xf32, #tpu.memory_space<vmem_shared>>
        tpu.enqueue_indirect_dma source(%dma_start3A_177 : memref<1024x64xf32, #tpu.memory_space<vmem_shared>>) target(%dma_start3A_171 : memref<128x64xf32, #tpu.memory_space<vmem>>) offsets(%dma_start3A_174 : memref<128xi32, #tpu.memory_space<vmem>>) semaphore(%arg22 : memref<!tpu.dma_semaphore, #tpu.memory_space<semaphore_mem>>)
        %dma_start3A_178 = arith.constant 0 : i32
        %dma_start3A_179 = arith.constant 128 : i32
        %dma_start3A_180 = arith.constant 0 : i32
        %dma_start3A_181 = tpu.memref_slice %arg13[%dma_start3A_179, %dma_start3A_180] : memref<256x64xf32, #tpu.memory_space<vmem>> -> memref<128x64xf32, #tpu.memory_space<vmem>>
        %dma_start3A_182 = arith.constant 128 : i32
        %dma_start3A_183 = tpu.memref_slice %arg9[%dma_start3A_178, %dma_start3A_182] : memref<2x256xi32, #tpu.memory_space<vmem>> -> memref<1x128xi32, #tpu.memory_space<vmem>>
        %dma_start3A_184 = tpu.memref_squeeze %dma_start3A_183 : memref<1x128xi32, #tpu.memory_space<vmem>> -> memref<128xi32, #tpu.memory_space<vmem>>
        %dma_start3A_185 = arith.constant 0 : i32
        %dma_start3A_186 = arith.constant 0 : i32
        %dma_start3A_187 = tpu.memref_slice %arg15[%dma_start3A_185, %dma_start3A_186] : memref<1024x64xf32, #tpu.memory_space<vmem_shared>> -> memref<1024x64xf32, #tpu.memory_space<vmem_shared>>
        tpu.enqueue_indirect_dma source(%dma_start3A_187 : memref<1024x64xf32, #tpu.memory_space<vmem_shared>>) target(%dma_start3A_181 : memref<128x64xf32, #tpu.memory_space<vmem>>) offsets(%dma_start3A_184 : memref<128xi32, #tpu.memory_space<vmem>>) semaphore(%arg22 : memref<!tpu.dma_semaphore, #tpu.memory_space<semaphore_mem>>)
      } else {
      }
      %ge3A_115 = arith.constant 1 : i32
      %ge3A_116 = arith.cmpi sge, %add3A_109, %ge3A_115 : i32
      %sub3A_117 = arith.constant 1 : i32
      %sub3A_118 = arith.subi %add3A_109, %sub3A_117 : i32
      %lt3A_119 = arith.constant 100 : i32
      %lt3A_120 = arith.cmpi slt, %sub3A_118, %lt3A_119 : i32
      %and3A_121 = arith.andi %ge3A_116, %lt3A_120 : i1
      %convert_element_type3A_122 = arith.extui %and3A_121 : i1 to i32
      %cond3A_123 = arith.constant 0 : i32
      %cond3A_124 = arith.cmpi ne, %convert_element_type3A_122, %cond3A_123 : i32
      scf.if %cond3A_124 {
        %dma_wait3A_164 = arith.constant 0 : i32
        %dma_wait3A_165 = arith.constant 0 : i32
        %dma_wait3A_166 = arith.constant 0 : i32
        %dma_wait3A_167 = tpu.memref_slice %arg12[%dma_wait3A_165, %dma_wait3A_166] : memref<256x64xf32, #tpu.memory_space<vmem>> -> memref<128x64xf32, #tpu.memory_space<vmem>>
        %dma_wait3A_168 = arith.constant 0 : i32
        %dma_wait3A_169 = tpu.memref_slice %arg8[%dma_wait3A_164, %dma_wait3A_168] : memref<2x256xi32, #tpu.memory_space<vmem>> -> memref<1x128xi32, #tpu.memory_space<vmem>>
        %dma_wait3A_170 = tpu.memref_squeeze %dma_wait3A_169 : memref<1x128xi32, #tpu.memory_space<vmem>> -> memref<128xi32, #tpu.memory_space<vmem>>
        %dma_wait3A_171 = arith.constant 0 : i32
        %dma_wait3A_172 = arith.constant 0 : i32
        %dma_wait3A_173 = tpu.memref_slice %arg15[%dma_wait3A_171, %dma_wait3A_172] : memref<1024x64xf32, #tpu.memory_space<vmem_shared>> -> memref<1024x64xf32, #tpu.memory_space<vmem_shared>>
        tpu.wait_indirect_dma semaphore(%arg21 : memref<!tpu.dma_semaphore, #tpu.memory_space<semaphore_mem>>) src(%dma_wait3A_173 : memref<1024x64xf32, #tpu.memory_space<vmem_shared>>) dst(%dma_wait3A_167 : memref<128x64xf32, #tpu.memory_space<vmem>>)
        %dma_wait3A_174 = arith.constant 0 : i32
        %dma_wait3A_175 = arith.constant 128 : i32
        %dma_wait3A_176 = arith.constant 0 : i32
        %dma_wait3A_177 = tpu.memref_slice %arg12[%dma_wait3A_175, %dma_wait3A_176] : memref<256x64xf32, #tpu.memory_space<vmem>> -> memref<128x64xf32, #tpu.memory_space<vmem>>
        %dma_wait3A_178 = arith.constant 128 : i32
        %dma_wait3A_179 = tpu.memref_slice %arg8[%dma_wait3A_174, %dma_wait3A_178] : memref<2x256xi32, #tpu.memory_space<vmem>> -> memref<1x128xi32, #tpu.memory_space<vmem>>
        %dma_wait3A_180 = tpu.memref_squeeze %dma_wait3A_179 : memref<1x128xi32, #tpu.memory_space<vmem>> -> memref<128xi32, #tpu.memory_space<vmem>>
        %dma_wait3A_181 = arith.constant 0 : i32
        %dma_wait3A_182 = arith.constant 0 : i32
        %dma_wait3A_183 = tpu.memref_slice %arg15[%dma_wait3A_181, %dma_wait3A_182] : memref<1024x64xf32, #tpu.memory_space<vmem_shared>> -> memref<1024x64xf32, #tpu.memory_space<vmem_shared>>
        tpu.wait_indirect_dma semaphore(%arg21 : memref<!tpu.dma_semaphore, #tpu.memory_space<semaphore_mem>>) src(%dma_wait3A_183 : memref<1024x64xf32, #tpu.memory_space<vmem_shared>>) dst(%dma_wait3A_177 : memref<128x64xf32, #tpu.memory_space<vmem>>)
        %dma_start3A = arith.constant 1 : i32
        %dma_start3A_184 = arith.constant 0 : i32
        %dma_start3A_185 = arith.constant 0 : i32
        %dma_start3A_186 = tpu.memref_slice %arg12[%dma_start3A_184, %dma_start3A_185] : memref<256x64xf32, #tpu.memory_space<vmem>> -> memref<128x64xf32, #tpu.memory_space<vmem>>
        %dma_start3A_187 = arith.constant 0 : i32
        %dma_start3A_188 = tpu.memref_slice %arg8[%dma_start3A, %dma_start3A_187] : memref<2x256xi32, #tpu.memory_space<vmem>> -> memref<1x128xi32, #tpu.memory_space<vmem>>
        %dma_start3A_189 = tpu.memref_squeeze %dma_start3A_188 : memref<1x128xi32, #tpu.memory_space<vmem>> -> memref<128xi32, #tpu.memory_space<vmem>>
        %dma_start3A_190 = arith.constant 0 : i32
        %dma_start3A_191 = arith.constant 0 : i32
        %dma_start3A_192 = tpu.memref_slice %arg3[%dma_start3A_190, %dma_start3A_191] : memref<100000x64xf32, #tpu.memory_space<hbm>> -> memref<100000x64xf32, #tpu.memory_space<hbm>>
        tpu.enqueue_indirect_dma source(%dma_start3A_192 : memref<100000x64xf32, #tpu.memory_space<hbm>>) target(%dma_start3A_186 : memref<128x64xf32, #tpu.memory_space<vmem>>) offsets(%dma_start3A_189 : memref<128xi32, #tpu.memory_space<vmem>>) semaphore(%arg21 : memref<!tpu.dma_semaphore, #tpu.memory_space<semaphore_mem>>) {add = true}
        %dma_start3A_193 = arith.constant 1 : i32
        %dma_start3A_194 = arith.constant 128 : i32
        %dma_start3A_195 = arith.constant 0 : i32
        %dma_start3A_196 = tpu.memref_slice %arg12[%dma_start3A_194, %dma_start3A_195] : memref<256x64xf32, #tpu.memory_space<vmem>> -> memref<128x64xf32, #tpu.memory_space<vmem>>
        %dma_start3A_197 = arith.constant 128 : i32
        %dma_start3A_198 = tpu.memref_slice %arg8[%dma_start3A_193, %dma_start3A_197] : memref<2x256xi32, #tpu.memory_space<vmem>> -> memref<1x128xi32, #tpu.memory_space<vmem>>
        %dma_start3A_199 = tpu.memref_squeeze %dma_start3A_198 : memref<1x128xi32, #tpu.memory_space<vmem>> -> memref<128xi32, #tpu.memory_space<vmem>>
        %dma_start3A_200 = arith.constant 0 : i32
        %dma_start3A_201 = arith.constant 0 : i32
        %dma_start3A_202 = tpu.memref_slice %arg3[%dma_start3A_200, %dma_start3A_201] : memref<100000x64xf32, #tpu.memory_space<hbm>> -> memref<100000x64xf32, #tpu.memory_space<hbm>>
        tpu.enqueue_indirect_dma source(%dma_start3A_202 : memref<100000x64xf32, #tpu.memory_space<hbm>>) target(%dma_start3A_196 : memref<128x64xf32, #tpu.memory_space<vmem>>) offsets(%dma_start3A_199 : memref<128xi32, #tpu.memory_space<vmem>>) semaphore(%arg21 : memref<!tpu.dma_semaphore, #tpu.memory_space<semaphore_mem>>) {add = true}
      } else {
      }
      %ge3A_125 = arith.constant 2 : i32
      %ge3A_126 = arith.cmpi sge, %add3A_109, %ge3A_125 : i32
      %sub3A_127 = arith.constant 2 : i32
      %sub3A_128 = arith.subi %add3A_109, %sub3A_127 : i32
      %lt3A_129 = arith.constant 100 : i32
      %lt3A_130 = arith.cmpi slt, %sub3A_128, %lt3A_129 : i32
      %and3A_131 = arith.andi %ge3A_126, %lt3A_130 : i1
      %convert_element_type3A_132 = arith.extui %and3A_131 : i1 to i32
      %cond3A_133 = arith.constant 0 : i32
      %cond3A_134 = arith.cmpi ne, %convert_element_type3A_132, %cond3A_133 : i32
      scf.if %cond3A_134 {
        %dma_wait3A_164 = arith.constant 1 : i32
        %dma_wait3A_165 = arith.constant 0 : i32
        %dma_wait3A_166 = arith.constant 0 : i32
        %dma_wait3A_167 = tpu.memref_slice %arg11[%dma_wait3A_165, %dma_wait3A_166] : memref<256x64xf32, #tpu.memory_space<vmem>> -> memref<128x64xf32, #tpu.memory_space<vmem>>
        %dma_wait3A_168 = arith.constant 0 : i32
        %dma_wait3A_169 = tpu.memref_slice %arg7[%dma_wait3A_164, %dma_wait3A_168] : memref<2x256xi32, #tpu.memory_space<vmem>> -> memref<1x128xi32, #tpu.memory_space<vmem>>
        %dma_wait3A_170 = tpu.memref_squeeze %dma_wait3A_169 : memref<1x128xi32, #tpu.memory_space<vmem>> -> memref<128xi32, #tpu.memory_space<vmem>>
        %dma_wait3A_171 = arith.constant 0 : i32
        %dma_wait3A_172 = arith.constant 0 : i32
        %dma_wait3A_173 = tpu.memref_slice %arg3[%dma_wait3A_171, %dma_wait3A_172] : memref<100000x64xf32, #tpu.memory_space<hbm>> -> memref<100000x64xf32, #tpu.memory_space<hbm>>
        tpu.wait_indirect_dma semaphore(%arg20 : memref<!tpu.dma_semaphore, #tpu.memory_space<semaphore_mem>>) src(%dma_wait3A_173 : memref<100000x64xf32, #tpu.memory_space<hbm>>) dst(%dma_wait3A_167 : memref<128x64xf32, #tpu.memory_space<vmem>>)
        %dma_wait3A_174 = arith.constant 1 : i32
        %dma_wait3A_175 = arith.constant 128 : i32
        %dma_wait3A_176 = arith.constant 0 : i32
        %dma_wait3A_177 = tpu.memref_slice %arg11[%dma_wait3A_175, %dma_wait3A_176] : memref<256x64xf32, #tpu.memory_space<vmem>> -> memref<128x64xf32, #tpu.memory_space<vmem>>
        %dma_wait3A_178 = arith.constant 128 : i32
        %dma_wait3A_179 = tpu.memref_slice %arg7[%dma_wait3A_174, %dma_wait3A_178] : memref<2x256xi32, #tpu.memory_space<vmem>> -> memref<1x128xi32, #tpu.memory_space<vmem>>
        %dma_wait3A_180 = tpu.memref_squeeze %dma_wait3A_179 : memref<1x128xi32, #tpu.memory_space<vmem>> -> memref<128xi32, #tpu.memory_space<vmem>>
        %dma_wait3A_181 = arith.constant 0 : i32
        %dma_wait3A_182 = arith.constant 0 : i32
        %dma_wait3A_183 = tpu.memref_slice %arg3[%dma_wait3A_181, %dma_wait3A_182] : memref<100000x64xf32, #tpu.memory_space<hbm>> -> memref<100000x64xf32, #tpu.memory_space<hbm>>
        tpu.wait_indirect_dma semaphore(%arg20 : memref<!tpu.dma_semaphore, #tpu.memory_space<semaphore_mem>>) src(%dma_wait3A_183 : memref<100000x64xf32, #tpu.memory_space<hbm>>) dst(%dma_wait3A_177 : memref<128x64xf32, #tpu.memory_space<vmem>>)
        %sub3A_184 = arith.constant 2 : i32
        %sub3A_185 = arith.subi %add3A_109, %sub3A_184 : i32
        %mul3A_186 = arith.constant 256 : i32
        %mul3A_187 = arith.muli %sub3A_185, %mul3A_186 : i32
        %add3A_188 = arith.addi %mul3A_2, %mul3A_187 : i32
        %dma_start3A = arith.constant 0 : i32
        %dma_start3A_189 = tpu.memref_slice %arg6[%add3A_188, %dma_start3A] : memref<819200x128xf32, #tpu.memory_space<hbm>> -> memref<256x64xf32, #tpu.memory_space<hbm>>
        %dma_start3A_190 = arith.constant 0 : i32
        %dma_start3A_191 = tpu.memref_slice %arg6[%add3A_188, %dma_start3A_190] : memref<819200x128xf32, #tpu.memory_space<hbm>> -> memref<256x64xf32, #tpu.memory_space<hbm>>
        tpu.enqueue_dma source(%arg11 : memref<256x64xf32, #tpu.memory_space<vmem>>) target(%dma_start3A_191 : memref<256x64xf32, #tpu.memory_space<hbm>>) target_semaphore(%arg24 : memref<!tpu.dma_semaphore, #tpu.memory_space<semaphore_mem>>)
        %add3A_192 = arith.constant 2 : i32
        %add3A_193 = arith.addi %add3A_109, %add3A_192 : i32
        %lt3A_194 = arith.constant 100 : i32
        %lt3A_195 = arith.cmpi slt, %add3A_193, %lt3A_194 : i32
        %convert_element_type3A_196 = arith.extui %lt3A_195 : i1 to i32
        %cond3A_197 = arith.constant 0 : i32
        %cond3A_198 = arith.cmpi ne, %convert_element_type3A_196, %cond3A_197 : i32
        scf.if %cond3A_198 {
          %add3A_199 = arith.constant 2 : i32
          %add3A_200 = arith.addi %add3A_109, %add3A_199 : i32
          %mul3A_201 = arith.constant 256 : i32
          %mul3A_202 = arith.muli %add3A_200, %mul3A_201 : i32
          %add3A_203 = arith.addi %mul3A_2, %mul3A_202 : i32
          %dma_start3A_204 = arith.constant 0 : i32
          %dma_start3A_205 = arith.constant 0 : i32
          %dma_start3A_206 = tpu.memref_slice %arg7[%dma_start3A_204, %dma_start3A_205] : memref<2x256xi32, #tpu.memory_space<vmem>> -> memref<1x256xi32, #tpu.memory_space<vmem>>
          %dma_start3A_207 = tpu.memref_squeeze %dma_start3A_206 : memref<1x256xi32, #tpu.memory_space<vmem>> -> memref<256xi32, #tpu.memory_space<vmem>>
          %dma_start3A_208 = tpu.memref_slice %arg4[%add3A_203] : memref<819200xi32, #tpu.memory_space<hbm>> -> memref<256xi32, #tpu.memory_space<hbm>>
          %dma_start3A_209 = arith.constant 0 : i32
          %dma_start3A_210 = tpu.memref_slice %arg7[%dma_start3A_204, %dma_start3A_209] : memref<2x256xi32, #tpu.memory_space<vmem>> -> memref<1x256xi32, #tpu.memory_space<vmem>>
          %dma_start3A_211 = tpu.memref_squeeze %dma_start3A_210 : memref<1x256xi32, #tpu.memory_space<vmem>> -> memref<256xi32, #tpu.memory_space<vmem>>
          %dma_start3A_212 = tpu.memref_slice %arg4[%add3A_203] : memref<819200xi32, #tpu.memory_space<hbm>> -> memref<256xi32, #tpu.memory_space<hbm>>
          tpu.enqueue_dma source(%dma_start3A_212 : memref<256xi32, #tpu.memory_space<hbm>>) target(%dma_start3A_211 : memref<256xi32, #tpu.memory_space<vmem>>) target_semaphore(%arg16 : memref<!tpu.dma_semaphore, #tpu.memory_space<semaphore_mem>>)
          %dma_start3A_213 = arith.constant 1 : i32
          %dma_start3A_214 = arith.constant 0 : i32
          %dma_start3A_215 = tpu.memref_slice %arg7[%dma_start3A_213, %dma_start3A_214] : memref<2x256xi32, #tpu.memory_space<vmem>> -> memref<1x256xi32, #tpu.memory_space<vmem>>
          %dma_start3A_216 = tpu.memref_squeeze %dma_start3A_215 : memref<1x256xi32, #tpu.memory_space<vmem>> -> memref<256xi32, #tpu.memory_space<vmem>>
          %dma_start3A_217 = tpu.memref_slice %arg5[%add3A_203] : memref<819200xi32, #tpu.memory_space<hbm>> -> memref<256xi32, #tpu.memory_space<hbm>>
          %dma_start3A_218 = arith.constant 0 : i32
          %dma_start3A_219 = tpu.memref_slice %arg7[%dma_start3A_213, %dma_start3A_218] : memref<2x256xi32, #tpu.memory_space<vmem>> -> memref<1x256xi32, #tpu.memory_space<vmem>>
          %dma_start3A_220 = tpu.memref_squeeze %dma_start3A_219 : memref<1x256xi32, #tpu.memory_space<vmem>> -> memref<256xi32, #tpu.memory_space<vmem>>
          %dma_start3A_221 = tpu.memref_slice %arg5[%add3A_203] : memref<819200xi32, #tpu.memory_space<hbm>> -> memref<256xi32, #tpu.memory_space<hbm>>
          tpu.enqueue_dma source(%dma_start3A_221 : memref<256xi32, #tpu.memory_space<hbm>>) target(%dma_start3A_220 : memref<256xi32, #tpu.memory_space<vmem>>) target_semaphore(%arg16 : memref<!tpu.dma_semaphore, #tpu.memory_space<semaphore_mem>>)
        } else {
        }
      } else {
      }
      %mul3A_135 = arith.constant 4 : i32
      %mul3A_136 = arith.muli %mul3A_135, %add3A_53 : i32
      %add3A_137 = arith.constant 3 : i32
      %add3A_138 = arith.addi %mul3A_136, %add3A_137 : i32
      %lt3A_139 = arith.constant 100 : i32
      %lt3A_140 = arith.cmpi slt, %add3A_138, %lt3A_139 : i32
      %convert_element_type3A_141 = arith.extui %lt3A_140 : i1 to i32
      %cond3A_142 = arith.constant 0 : i32
      %cond3A_143 = arith.cmpi ne, %convert_element_type3A_141, %cond3A_142 : i32
      scf.if %cond3A_143 {
        %ge3A_164 = arith.constant 4 : i32
        %ge3A_165 = arith.cmpi sge, %add3A_138, %ge3A_164 : i32
        %convert_element_type3A_166 = arith.extui %ge3A_165 : i1 to i32
        %cond3A_167 = arith.constant 0 : i32
        %cond3A_168 = arith.cmpi ne, %convert_element_type3A_166, %cond3A_167 : i32
        scf.if %cond3A_168 {
          %mul3A_188 = arith.constant 256 : i32
          %mul3A_189 = arith.muli %add3A_138, %mul3A_188 : i32
          %add3A_190 = arith.addi %mul3A_2, %mul3A_189 : i32
          %dma_wait3A_191 = arith.constant 0 : i32
          %dma_wait3A_192 = arith.constant 0 : i32
          %dma_wait3A_193 = tpu.memref_slice %arg10[%dma_wait3A_191, %dma_wait3A_192] : memref<2x256xi32, #tpu.memory_space<vmem>> -> memref<1x256xi32, #tpu.memory_space<vmem>>
          %dma_wait3A_194 = tpu.memref_squeeze %dma_wait3A_193 : memref<1x256xi32, #tpu.memory_space<vmem>> -> memref<256xi32, #tpu.memory_space<vmem>>
          %dma_wait3A_195 = tpu.memref_slice %arg4[%add3A_190] : memref<819200xi32, #tpu.memory_space<hbm>> -> memref<256xi32, #tpu.memory_space<hbm>>
          %dma_wait3A_196 = arith.constant 0 : i32
          %dma_wait3A_197 = tpu.memref_slice %arg10[%dma_wait3A_191, %dma_wait3A_196] : memref<2x256xi32, #tpu.memory_space<vmem>> -> memref<1x256xi32, #tpu.memory_space<vmem>>
          %dma_wait3A_198 = tpu.memref_squeeze %dma_wait3A_197 : memref<1x256xi32, #tpu.memory_space<vmem>> -> memref<256xi32, #tpu.memory_space<vmem>>
          %dma_wait3A_199 = tpu.memref_slice %arg4[%add3A_190] : memref<819200xi32, #tpu.memory_space<hbm>> -> memref<256xi32, #tpu.memory_space<hbm>>
          tpu.wait_dma2 semaphore(%arg19 : memref<!tpu.dma_semaphore, #tpu.memory_space<semaphore_mem>>) src(%dma_wait3A_199 : memref<256xi32, #tpu.memory_space<hbm>>) dst(%dma_wait3A_198 : memref<256xi32, #tpu.memory_space<vmem>>)
          %dma_wait3A_200 = arith.constant 1 : i32
          %dma_wait3A_201 = arith.constant 0 : i32
          %dma_wait3A_202 = tpu.memref_slice %arg10[%dma_wait3A_200, %dma_wait3A_201] : memref<2x256xi32, #tpu.memory_space<vmem>> -> memref<1x256xi32, #tpu.memory_space<vmem>>
          %dma_wait3A_203 = tpu.memref_squeeze %dma_wait3A_202 : memref<1x256xi32, #tpu.memory_space<vmem>> -> memref<256xi32, #tpu.memory_space<vmem>>
          %dma_wait3A_204 = tpu.memref_slice %arg5[%add3A_190] : memref<819200xi32, #tpu.memory_space<hbm>> -> memref<256xi32, #tpu.memory_space<hbm>>
          %dma_wait3A_205 = arith.constant 0 : i32
          %dma_wait3A_206 = tpu.memref_slice %arg10[%dma_wait3A_200, %dma_wait3A_205] : memref<2x256xi32, #tpu.memory_space<vmem>> -> memref<1x256xi32, #tpu.memory_space<vmem>>
          %dma_wait3A_207 = tpu.memref_squeeze %dma_wait3A_206 : memref<1x256xi32, #tpu.memory_space<vmem>> -> memref<256xi32, #tpu.memory_space<vmem>>
          %dma_wait3A_208 = tpu.memref_slice %arg5[%add3A_190] : memref<819200xi32, #tpu.memory_space<hbm>> -> memref<256xi32, #tpu.memory_space<hbm>>
          tpu.wait_dma2 semaphore(%arg19 : memref<!tpu.dma_semaphore, #tpu.memory_space<semaphore_mem>>) src(%dma_wait3A_208 : memref<256xi32, #tpu.memory_space<hbm>>) dst(%dma_wait3A_207 : memref<256xi32, #tpu.memory_space<vmem>>)
          %sub3A_209 = arith.constant 4 : i32
          %sub3A_210 = arith.subi %add3A_138, %sub3A_209 : i32
          %mul3A_211 = arith.constant 256 : i32
          %mul3A_212 = arith.muli %sub3A_210, %mul3A_211 : i32
          %add3A_213 = arith.addi %mul3A_2, %mul3A_212 : i32
          %dma_wait3A_214 = arith.constant 0 : i32
          %dma_wait3A_215 = tpu.memref_slice %arg6[%add3A_213, %dma_wait3A_214] : memref<819200x128xf32, #tpu.memory_space<hbm>> -> memref<256x64xf32, #tpu.memory_space<hbm>>
          %dma_wait3A_216 = arith.constant 0 : i32
          %dma_wait3A_217 = tpu.memref_slice %arg6[%add3A_213, %dma_wait3A_216] : memref<819200x128xf32, #tpu.memory_space<hbm>> -> memref<256x64xf32, #tpu.memory_space<hbm>>
          tpu.wait_dma2 semaphore(%arg27 : memref<!tpu.dma_semaphore, #tpu.memory_space<semaphore_mem>>) src(%arg14 : memref<256x64xf32, #tpu.memory_space<vmem>>) dst(%dma_wait3A_217 : memref<256x64xf32, #tpu.memory_space<hbm>>)
        } else {
        }
        %dma_start3A = arith.constant 0 : i32
        %dma_start3A_169 = arith.constant 0 : i32
        %dma_start3A_170 = arith.constant 0 : i32
        %dma_start3A_171 = tpu.memref_slice %arg14[%dma_start3A_169, %dma_start3A_170] : memref<256x64xf32, #tpu.memory_space<vmem>> -> memref<128x64xf32, #tpu.memory_space<vmem>>
        %dma_start3A_172 = arith.constant 0 : i32
        %dma_start3A_173 = tpu.memref_slice %arg10[%dma_start3A, %dma_start3A_172] : memref<2x256xi32, #tpu.memory_space<vmem>> -> memref<1x128xi32, #tpu.memory_space<vmem>>
        %dma_start3A_174 = tpu.memref_squeeze %dma_start3A_173 : memref<1x128xi32, #tpu.memory_space<vmem>> -> memref<128xi32, #tpu.memory_space<vmem>>
        %dma_start3A_175 = arith.constant 0 : i32
        %dma_start3A_176 = arith.constant 0 : i32
        %dma_start3A_177 = tpu.memref_slice %arg15[%dma_start3A_175, %dma_start3A_176] : memref<1024x64xf32, #tpu.memory_space<vmem_shared>> -> memref<1024x64xf32, #tpu.memory_space<vmem_shared>>
        tpu.enqueue_indirect_dma source(%dma_start3A_177 : memref<1024x64xf32, #tpu.memory_space<vmem_shared>>) target(%dma_start3A_171 : memref<128x64xf32, #tpu.memory_space<vmem>>) offsets(%dma_start3A_174 : memref<128xi32, #tpu.memory_space<vmem>>) semaphore(%arg23 : memref<!tpu.dma_semaphore, #tpu.memory_space<semaphore_mem>>)
        %dma_start3A_178 = arith.constant 0 : i32
        %dma_start3A_179 = arith.constant 128 : i32
        %dma_start3A_180 = arith.constant 0 : i32
        %dma_start3A_181 = tpu.memref_slice %arg14[%dma_start3A_179, %dma_start3A_180] : memref<256x64xf32, #tpu.memory_space<vmem>> -> memref<128x64xf32, #tpu.memory_space<vmem>>
        %dma_start3A_182 = arith.constant 128 : i32
        %dma_start3A_183 = tpu.memref_slice %arg10[%dma_start3A_178, %dma_start3A_182] : memref<2x256xi32, #tpu.memory_space<vmem>> -> memref<1x128xi32, #tpu.memory_space<vmem>>
        %dma_start3A_184 = tpu.memref_squeeze %dma_start3A_183 : memref<1x128xi32, #tpu.memory_space<vmem>> -> memref<128xi32, #tpu.memory_space<vmem>>
        %dma_start3A_185 = arith.constant 0 : i32
        %dma_start3A_186 = arith.constant 0 : i32
        %dma_start3A_187 = tpu.memref_slice %arg15[%dma_start3A_185, %dma_start3A_186] : memref<1024x64xf32, #tpu.memory_space<vmem_shared>> -> memref<1024x64xf32, #tpu.memory_space<vmem_shared>>
        tpu.enqueue_indirect_dma source(%dma_start3A_187 : memref<1024x64xf32, #tpu.memory_space<vmem_shared>>) target(%dma_start3A_181 : memref<128x64xf32, #tpu.memory_space<vmem>>) offsets(%dma_start3A_184 : memref<128xi32, #tpu.memory_space<vmem>>) semaphore(%arg23 : memref<!tpu.dma_semaphore, #tpu.memory_space<semaphore_mem>>)
      } else {
      }
      %ge3A_144 = arith.constant 1 : i32
      %ge3A_145 = arith.cmpi sge, %add3A_138, %ge3A_144 : i32
      %sub3A_146 = arith.constant 1 : i32
      %sub3A_147 = arith.subi %add3A_138, %sub3A_146 : i32
      %lt3A_148 = arith.constant 100 : i32
      %lt3A_149 = arith.cmpi slt, %sub3A_147, %lt3A_148 : i32
      %and3A_150 = arith.andi %ge3A_145, %lt3A_149 : i1
      %convert_element_type3A_151 = arith.extui %and3A_150 : i1 to i32
      %cond3A_152 = arith.constant 0 : i32
      %cond3A_153 = arith.cmpi ne, %convert_element_type3A_151, %cond3A_152 : i32
      scf.if %cond3A_153 {
        %dma_wait3A_164 = arith.constant 0 : i32
        %dma_wait3A_165 = arith.constant 0 : i32
        %dma_wait3A_166 = arith.constant 0 : i32
        %dma_wait3A_167 = tpu.memref_slice %arg13[%dma_wait3A_165, %dma_wait3A_166] : memref<256x64xf32, #tpu.memory_space<vmem>> -> memref<128x64xf32, #tpu.memory_space<vmem>>
        %dma_wait3A_168 = arith.constant 0 : i32
        %dma_wait3A_169 = tpu.memref_slice %arg9[%dma_wait3A_164, %dma_wait3A_168] : memref<2x256xi32, #tpu.memory_space<vmem>> -> memref<1x128xi32, #tpu.memory_space<vmem>>
        %dma_wait3A_170 = tpu.memref_squeeze %dma_wait3A_169 : memref<1x128xi32, #tpu.memory_space<vmem>> -> memref<128xi32, #tpu.memory_space<vmem>>
        %dma_wait3A_171 = arith.constant 0 : i32
        %dma_wait3A_172 = arith.constant 0 : i32
        %dma_wait3A_173 = tpu.memref_slice %arg15[%dma_wait3A_171, %dma_wait3A_172] : memref<1024x64xf32, #tpu.memory_space<vmem_shared>> -> memref<1024x64xf32, #tpu.memory_space<vmem_shared>>
        tpu.wait_indirect_dma semaphore(%arg22 : memref<!tpu.dma_semaphore, #tpu.memory_space<semaphore_mem>>) src(%dma_wait3A_173 : memref<1024x64xf32, #tpu.memory_space<vmem_shared>>) dst(%dma_wait3A_167 : memref<128x64xf32, #tpu.memory_space<vmem>>)
        %dma_wait3A_174 = arith.constant 0 : i32
        %dma_wait3A_175 = arith.constant 128 : i32
        %dma_wait3A_176 = arith.constant 0 : i32
        %dma_wait3A_177 = tpu.memref_slice %arg13[%dma_wait3A_175, %dma_wait3A_176] : memref<256x64xf32, #tpu.memory_space<vmem>> -> memref<128x64xf32, #tpu.memory_space<vmem>>
        %dma_wait3A_178 = arith.constant 128 : i32
        %dma_wait3A_179 = tpu.memref_slice %arg9[%dma_wait3A_174, %dma_wait3A_178] : memref<2x256xi32, #tpu.memory_space<vmem>> -> memref<1x128xi32, #tpu.memory_space<vmem>>
        %dma_wait3A_180 = tpu.memref_squeeze %dma_wait3A_179 : memref<1x128xi32, #tpu.memory_space<vmem>> -> memref<128xi32, #tpu.memory_space<vmem>>
        %dma_wait3A_181 = arith.constant 0 : i32
        %dma_wait3A_182 = arith.constant 0 : i32
        %dma_wait3A_183 = tpu.memref_slice %arg15[%dma_wait3A_181, %dma_wait3A_182] : memref<1024x64xf32, #tpu.memory_space<vmem_shared>> -> memref<1024x64xf32, #tpu.memory_space<vmem_shared>>
        tpu.wait_indirect_dma semaphore(%arg22 : memref<!tpu.dma_semaphore, #tpu.memory_space<semaphore_mem>>) src(%dma_wait3A_183 : memref<1024x64xf32, #tpu.memory_space<vmem_shared>>) dst(%dma_wait3A_177 : memref<128x64xf32, #tpu.memory_space<vmem>>)
        %dma_start3A = arith.constant 1 : i32
        %dma_start3A_184 = arith.constant 0 : i32
        %dma_start3A_185 = arith.constant 0 : i32
        %dma_start3A_186 = tpu.memref_slice %arg13[%dma_start3A_184, %dma_start3A_185] : memref<256x64xf32, #tpu.memory_space<vmem>> -> memref<128x64xf32, #tpu.memory_space<vmem>>
        %dma_start3A_187 = arith.constant 0 : i32
        %dma_start3A_188 = tpu.memref_slice %arg9[%dma_start3A, %dma_start3A_187] : memref<2x256xi32, #tpu.memory_space<vmem>> -> memref<1x128xi32, #tpu.memory_space<vmem>>
        %dma_start3A_189 = tpu.memref_squeeze %dma_start3A_188 : memref<1x128xi32, #tpu.memory_space<vmem>> -> memref<128xi32, #tpu.memory_space<vmem>>
        %dma_start3A_190 = arith.constant 0 : i32
        %dma_start3A_191 = arith.constant 0 : i32
        %dma_start3A_192 = tpu.memref_slice %arg3[%dma_start3A_190, %dma_start3A_191] : memref<100000x64xf32, #tpu.memory_space<hbm>> -> memref<100000x64xf32, #tpu.memory_space<hbm>>
        tpu.enqueue_indirect_dma source(%dma_start3A_192 : memref<100000x64xf32, #tpu.memory_space<hbm>>) target(%dma_start3A_186 : memref<128x64xf32, #tpu.memory_space<vmem>>) offsets(%dma_start3A_189 : memref<128xi32, #tpu.memory_space<vmem>>) semaphore(%arg22 : memref<!tpu.dma_semaphore, #tpu.memory_space<semaphore_mem>>) {add = true}
        %dma_start3A_193 = arith.constant 1 : i32
        %dma_start3A_194 = arith.constant 128 : i32
        %dma_start3A_195 = arith.constant 0 : i32
        %dma_start3A_196 = tpu.memref_slice %arg13[%dma_start3A_194, %dma_start3A_195] : memref<256x64xf32, #tpu.memory_space<vmem>> -> memref<128x64xf32, #tpu.memory_space<vmem>>
        %dma_start3A_197 = arith.constant 128 : i32
        %dma_start3A_198 = tpu.memref_slice %arg9[%dma_start3A_193, %dma_start3A_197] : memref<2x256xi32, #tpu.memory_space<vmem>> -> memref<1x128xi32, #tpu.memory_space<vmem>>
        %dma_start3A_199 = tpu.memref_squeeze %dma_start3A_198 : memref<1x128xi32, #tpu.memory_space<vmem>> -> memref<128xi32, #tpu.memory_space<vmem>>
        %dma_start3A_200 = arith.constant 0 : i32
        %dma_start3A_201 = arith.constant 0 : i32
        %dma_start3A_202 = tpu.memref_slice %arg3[%dma_start3A_200, %dma_start3A_201] : memref<100000x64xf32, #tpu.memory_space<hbm>> -> memref<100000x64xf32, #tpu.memory_space<hbm>>
        tpu.enqueue_indirect_dma source(%dma_start3A_202 : memref<100000x64xf32, #tpu.memory_space<hbm>>) target(%dma_start3A_196 : memref<128x64xf32, #tpu.memory_space<vmem>>) offsets(%dma_start3A_199 : memref<128xi32, #tpu.memory_space<vmem>>) semaphore(%arg22 : memref<!tpu.dma_semaphore, #tpu.memory_space<semaphore_mem>>) {add = true}
      } else {
      }
      %ge3A_154 = arith.constant 2 : i32
      %ge3A_155 = arith.cmpi sge, %add3A_138, %ge3A_154 : i32
      %sub3A_156 = arith.constant 2 : i32
      %sub3A_157 = arith.subi %add3A_138, %sub3A_156 : i32
      %lt3A_158 = arith.constant 100 : i32
      %lt3A_159 = arith.cmpi slt, %sub3A_157, %lt3A_158 : i32
      %and3A_160 = arith.andi %ge3A_155, %lt3A_159 : i1
      %convert_element_type3A_161 = arith.extui %and3A_160 : i1 to i32
      %cond3A_162 = arith.constant 0 : i32
      %cond3A_163 = arith.cmpi ne, %convert_element_type3A_161, %cond3A_162 : i32
      scf.if %cond3A_163 {
        %dma_wait3A_164 = arith.constant 1 : i32
        %dma_wait3A_165 = arith.constant 0 : i32
        %dma_wait3A_166 = arith.constant 0 : i32
        %dma_wait3A_167 = tpu.memref_slice %arg12[%dma_wait3A_165, %dma_wait3A_166] : memref<256x64xf32, #tpu.memory_space<vmem>> -> memref<128x64xf32, #tpu.memory_space<vmem>>
        %dma_wait3A_168 = arith.constant 0 : i32
        %dma_wait3A_169 = tpu.memref_slice %arg8[%dma_wait3A_164, %dma_wait3A_168] : memref<2x256xi32, #tpu.memory_space<vmem>> -> memref<1x128xi32, #tpu.memory_space<vmem>>
        %dma_wait3A_170 = tpu.memref_squeeze %dma_wait3A_169 : memref<1x128xi32, #tpu.memory_space<vmem>> -> memref<128xi32, #tpu.memory_space<vmem>>
        %dma_wait3A_171 = arith.constant 0 : i32
        %dma_wait3A_172 = arith.constant 0 : i32
        %dma_wait3A_173 = tpu.memref_slice %arg3[%dma_wait3A_171, %dma_wait3A_172] : memref<100000x64xf32, #tpu.memory_space<hbm>> -> memref<100000x64xf32, #tpu.memory_space<hbm>>
        tpu.wait_indirect_dma semaphore(%arg21 : memref<!tpu.dma_semaphore, #tpu.memory_space<semaphore_mem>>) src(%dma_wait3A_173 : memref<100000x64xf32, #tpu.memory_space<hbm>>) dst(%dma_wait3A_167 : memref<128x64xf32, #tpu.memory_space<vmem>>)
        %dma_wait3A_174 = arith.constant 1 : i32
        %dma_wait3A_175 = arith.constant 128 : i32
        %dma_wait3A_176 = arith.constant 0 : i32
        %dma_wait3A_177 = tpu.memref_slice %arg12[%dma_wait3A_175, %dma_wait3A_176] : memref<256x64xf32, #tpu.memory_space<vmem>> -> memref<128x64xf32, #tpu.memory_space<vmem>>
        %dma_wait3A_178 = arith.constant 128 : i32
        %dma_wait3A_179 = tpu.memref_slice %arg8[%dma_wait3A_174, %dma_wait3A_178] : memref<2x256xi32, #tpu.memory_space<vmem>> -> memref<1x128xi32, #tpu.memory_space<vmem>>
        %dma_wait3A_180 = tpu.memref_squeeze %dma_wait3A_179 : memref<1x128xi32, #tpu.memory_space<vmem>> -> memref<128xi32, #tpu.memory_space<vmem>>
        %dma_wait3A_181 = arith.constant 0 : i32
        %dma_wait3A_182 = arith.constant 0 : i32
        %dma_wait3A_183 = tpu.memref_slice %arg3[%dma_wait3A_181, %dma_wait3A_182] : memref<100000x64xf32, #tpu.memory_space<hbm>> -> memref<100000x64xf32, #tpu.memory_space<hbm>>
        tpu.wait_indirect_dma semaphore(%arg21 : memref<!tpu.dma_semaphore, #tpu.memory_space<semaphore_mem>>) src(%dma_wait3A_183 : memref<100000x64xf32, #tpu.memory_space<hbm>>) dst(%dma_wait3A_177 : memref<128x64xf32, #tpu.memory_space<vmem>>)
        %sub3A_184 = arith.constant 2 : i32
        %sub3A_185 = arith.subi %add3A_138, %sub3A_184 : i32
        %mul3A_186 = arith.constant 256 : i32
        %mul3A_187 = arith.muli %sub3A_185, %mul3A_186 : i32
        %add3A_188 = arith.addi %mul3A_2, %mul3A_187 : i32
        %dma_start3A = arith.constant 0 : i32
        %dma_start3A_189 = tpu.memref_slice %arg6[%add3A_188, %dma_start3A] : memref<819200x128xf32, #tpu.memory_space<hbm>> -> memref<256x64xf32, #tpu.memory_space<hbm>>
        %dma_start3A_190 = arith.constant 0 : i32
        %dma_start3A_191 = tpu.memref_slice %arg6[%add3A_188, %dma_start3A_190] : memref<819200x128xf32, #tpu.memory_space<hbm>> -> memref<256x64xf32, #tpu.memory_space<hbm>>
        tpu.enqueue_dma source(%arg12 : memref<256x64xf32, #tpu.memory_space<vmem>>) target(%dma_start3A_191 : memref<256x64xf32, #tpu.memory_space<hbm>>) target_semaphore(%arg25 : memref<!tpu.dma_semaphore, #tpu.memory_space<semaphore_mem>>)
        %add3A_192 = arith.constant 2 : i32
        %add3A_193 = arith.addi %add3A_138, %add3A_192 : i32
        %lt3A_194 = arith.constant 100 : i32
        %lt3A_195 = arith.cmpi slt, %add3A_193, %lt3A_194 : i32
        %convert_element_type3A_196 = arith.extui %lt3A_195 : i1 to i32
        %cond3A_197 = arith.constant 0 : i32
        %cond3A_198 = arith.cmpi ne, %convert_element_type3A_196, %cond3A_197 : i32
        scf.if %cond3A_198 {
          %add3A_199 = arith.constant 2 : i32
          %add3A_200 = arith.addi %add3A_138, %add3A_199 : i32
          %mul3A_201 = arith.constant 256 : i32
          %mul3A_202 = arith.muli %add3A_200, %mul3A_201 : i32
          %add3A_203 = arith.addi %mul3A_2, %mul3A_202 : i32
          %dma_start3A_204 = arith.constant 0 : i32
          %dma_start3A_205 = arith.constant 0 : i32
          %dma_start3A_206 = tpu.memref_slice %arg8[%dma_start3A_204, %dma_start3A_205] : memref<2x256xi32, #tpu.memory_space<vmem>> -> memref<1x256xi32, #tpu.memory_space<vmem>>
          %dma_start3A_207 = tpu.memref_squeeze %dma_start3A_206 : memref<1x256xi32, #tpu.memory_space<vmem>> -> memref<256xi32, #tpu.memory_space<vmem>>
          %dma_start3A_208 = tpu.memref_slice %arg4[%add3A_203] : memref<819200xi32, #tpu.memory_space<hbm>> -> memref<256xi32, #tpu.memory_space<hbm>>
          %dma_start3A_209 = arith.constant 0 : i32
          %dma_start3A_210 = tpu.memref_slice %arg8[%dma_start3A_204, %dma_start3A_209] : memref<2x256xi32, #tpu.memory_space<vmem>> -> memref<1x256xi32, #tpu.memory_space<vmem>>
          %dma_start3A_211 = tpu.memref_squeeze %dma_start3A_210 : memref<1x256xi32, #tpu.memory_space<vmem>> -> memref<256xi32, #tpu.memory_space<vmem>>
          %dma_start3A_212 = tpu.memref_slice %arg4[%add3A_203] : memref<819200xi32, #tpu.memory_space<hbm>> -> memref<256xi32, #tpu.memory_space<hbm>>
          tpu.enqueue_dma source(%dma_start3A_212 : memref<256xi32, #tpu.memory_space<hbm>>) target(%dma_start3A_211 : memref<256xi32, #tpu.memory_space<vmem>>) target_semaphore(%arg17 : memref<!tpu.dma_semaphore, #tpu.memory_space<semaphore_mem>>)
          %dma_start3A_213 = arith.constant 1 : i32
          %dma_start3A_214 = arith.constant 0 : i32
          %dma_start3A_215 = tpu.memref_slice %arg8[%dma_start3A_213, %dma_start3A_214] : memref<2x256xi32, #tpu.memory_space<vmem>> -> memref<1x256xi32, #tpu.memory_space<vmem>>
          %dma_start3A_216 = tpu.memref_squeeze %dma_start3A_215 : memref<1x256xi32, #tpu.memory_space<vmem>> -> memref<256xi32, #tpu.memory_space<vmem>>
          %dma_start3A_217 = tpu.memref_slice %arg5[%add3A_203] : memref<819200xi32, #tpu.memory_space<hbm>> -> memref<256xi32, #tpu.memory_space<hbm>>
          %dma_start3A_218 = arith.constant 0 : i32
          %dma_start3A_219 = tpu.memref_slice %arg8[%dma_start3A_213, %dma_start3A_218] : memref<2x256xi32, #tpu.memory_space<vmem>> -> memref<1x256xi32, #tpu.memory_space<vmem>>
          %dma_start3A_220 = tpu.memref_squeeze %dma_start3A_219 : memref<1x256xi32, #tpu.memory_space<vmem>> -> memref<256xi32, #tpu.memory_space<vmem>>
          %dma_start3A_221 = tpu.memref_slice %arg5[%add3A_203] : memref<819200xi32, #tpu.memory_space<hbm>> -> memref<256xi32, #tpu.memory_space<hbm>>
          tpu.enqueue_dma source(%dma_start3A_221 : memref<256xi32, #tpu.memory_space<hbm>>) target(%dma_start3A_220 : memref<256xi32, #tpu.memory_space<vmem>>) target_semaphore(%arg17 : memref<!tpu.dma_semaphore, #tpu.memory_space<semaphore_mem>>)
        } else {
        }
      } else {
      }
    }
    %scan3A_25 = arith.constant 26 : i32
    %add3A_26 = arith.constant 24576 : i32
    %add3A_27 = arith.addi %mul3A_2, %add3A_26 : i32
    %dma_wait3A = arith.constant 0 : i32
    %dma_wait3A_28 = tpu.memref_slice %arg6[%add3A_27, %dma_wait3A] : memref<819200x128xf32, #tpu.memory_space<hbm>> -> memref<256x64xf32, #tpu.memory_space<hbm>>
    %dma_wait3A_29 = arith.constant 0 : i32
    %dma_wait3A_30 = tpu.memref_slice %arg6[%add3A_27, %dma_wait3A_29] : memref<819200x128xf32, #tpu.memory_space<hbm>> -> memref<256x64xf32, #tpu.memory_space<hbm>>
    tpu.wait_dma2 semaphore(%arg24 : memref<!tpu.dma_semaphore, #tpu.memory_space<semaphore_mem>>) src(%arg11 : memref<256x64xf32, #tpu.memory_space<vmem>>) dst(%dma_wait3A_30 : memref<256x64xf32, #tpu.memory_space<hbm>>)
    %add3A_31 = arith.constant 24832 : i32
    %add3A_32 = arith.addi %mul3A_2, %add3A_31 : i32
    %dma_wait3A_33 = arith.constant 0 : i32
    %dma_wait3A_34 = tpu.memref_slice %arg6[%add3A_32, %dma_wait3A_33] : memref<819200x128xf32, #tpu.memory_space<hbm>> -> memref<256x64xf32, #tpu.memory_space<hbm>>
    %dma_wait3A_35 = arith.constant 0 : i32
    %dma_wait3A_36 = tpu.memref_slice %arg6[%add3A_32, %dma_wait3A_35] : memref<819200x128xf32, #tpu.memory_space<hbm>> -> memref<256x64xf32, #tpu.memory_space<hbm>>
    tpu.wait_dma2 semaphore(%arg25 : memref<!tpu.dma_semaphore, #tpu.memory_space<semaphore_mem>>) src(%arg12 : memref<256x64xf32, #tpu.memory_space<vmem>>) dst(%dma_wait3A_36 : memref<256x64xf32, #tpu.memory_space<hbm>>)
    %add3A_37 = arith.constant 25088 : i32
    %add3A_38 = arith.addi %mul3A_2, %add3A_37 : i32
    %dma_wait3A_39 = arith.constant 0 : i32
    %dma_wait3A_40 = tpu.memref_slice %arg6[%add3A_38, %dma_wait3A_39] : memref<819200x128xf32, #tpu.memory_space<hbm>> -> memref<256x64xf32, #tpu.memory_space<hbm>>
    %dma_wait3A_41 = arith.constant 0 : i32
    %dma_wait3A_42 = tpu.memref_slice %arg6[%add3A_38, %dma_wait3A_41] : memref<819200x128xf32, #tpu.memory_space<hbm>> -> memref<256x64xf32, #tpu.memory_space<hbm>>
    tpu.wait_dma2 semaphore(%arg26 : memref<!tpu.dma_semaphore, #tpu.memory_space<semaphore_mem>>) src(%arg13 : memref<256x64xf32, #tpu.memory_space<vmem>>) dst(%dma_wait3A_42 : memref<256x64xf32, #tpu.memory_space<hbm>>)
    %add3A_43 = arith.constant 25344 : i32
    %add3A_44 = arith.addi %mul3A_2, %add3A_43 : i32
    %dma_wait3A_45 = arith.constant 0 : i32
    %dma_wait3A_46 = tpu.memref_slice %arg6[%add3A_44, %dma_wait3A_45] : memref<819200x128xf32, #tpu.memory_space<hbm>> -> memref<256x64xf32, #tpu.memory_space<hbm>>
    %dma_wait3A_47 = arith.constant 0 : i32
    %dma_wait3A_48 = tpu.memref_slice %arg6[%add3A_44, %dma_wait3A_47] : memref<819200x128xf32, #tpu.memory_space<hbm>> -> memref<256x64xf32, #tpu.memory_space<hbm>>
    tpu.wait_dma2 semaphore(%arg27 : memref<!tpu.dma_semaphore, #tpu.memory_space<semaphore_mem>>) src(%arg14 : memref<256x64xf32, #tpu.memory_space<vmem>>) dst(%dma_wait3A_48 : memref<256x64xf32, #tpu.memory_space<hbm>>)
    return
  }
}

module attributes {stable_mosaic.version = 14 : i64} {
  func.func @_cat_fold_body(%arg0: memref<1024x64xf32, #tpu.memory_space<vmem>>, %arg1: memref<64x64xf32, #tpu.memory_space<vmem>>, %arg2: memref<64x64xf32, #tpu.memory_space<vmem>>, %arg3: memref<1x64xf32, #tpu.memory_space<vmem>>, %arg4: memref<1x64xf32, #tpu.memory_space<vmem>>, %arg5: memref<1024x64xf32, #tpu.memory_space<vmem>>) attributes {dimension_semantics = [], scalar_prefetch = 0 : i64, scratch_operands = 0 : i64, tpu.core_type = #tpu.core_type<tc>} {
    %get3A = arith.constant 0 : index
    %get3A_0 = arith.constant 0 : index
    %get3A_1 = vector.load %arg4[%get3A, %get3A_0] : memref<1x64xf32, #tpu.memory_space<vmem>>, vector<1x64xf32>
    %get3A_2 = arith.constant 0 : index
    %get3A_3 = arith.constant 0 : index
    %get3A_4 = vector.load %arg3[%get3A_2, %get3A_3] : memref<1x64xf32, #tpu.memory_space<vmem>>, vector<1x64xf32>
    %get3A_5 = arith.constant 0 : index
    %get3A_6 = arith.constant 0 : index
    %get3A_7 = vector.load %arg2[%get3A_5, %get3A_6] : memref<64x64xf32, #tpu.memory_space<vmem>>, vector<64x64xf32>
    %dot_general3A = arith.constant dense<0.000000e+00> : vector<1x64xf32>
    %dot_general3A_8 = tpu.matmul %get3A_4, %get3A_7, %dot_general3A {dimension_numbers = #tpu.dot_dimension_numbers<[1], [0], [0], [1], [0, 0, 1, 1], [], []>, transpose_lhs_hint = false} : vector<1x64xf32>, vector<64x64xf32>, vector<1x64xf32> -> vector<1x64xf32>
    %add3A = arith.addf %get3A_1, %dot_general3A_8 : vector<1x64xf32>
    %get3A_9 = arith.constant 0 : index
    %get3A_10 = arith.constant 0 : index
    %get3A_11 = vector.load %arg0[%get3A_9, %get3A_10] : memref<1024x64xf32, #tpu.memory_space<vmem>>, vector<1024x64xf32>
    %get3A_12 = arith.constant 0 : index
    %get3A_13 = arith.constant 0 : index
    %get3A_14 = vector.load %arg1[%get3A_12, %get3A_13] : memref<64x64xf32, #tpu.memory_space<vmem>>, vector<64x64xf32>
    %dot_general3A_15 = arith.constant dense<0.000000e+00> : vector<1024x64xf32>
    %dot_general3A_16 = tpu.matmul %get3A_11, %get3A_14, %dot_general3A_15 {dimension_numbers = #tpu.dot_dimension_numbers<[1], [0], [0], [1], [0, 0, 1, 1], [], []>, transpose_lhs_hint = false} : vector<1024x64xf32>, vector<64x64xf32>, vector<1024x64xf32> -> vector<1024x64xf32>
    %add3A_17 = vector.broadcast %add3A : vector<1x64xf32> to vector<1024x64xf32>
    %add3A_18 = arith.addf %dot_general3A_16, %add3A_17 : vector<1024x64xf32>
    %swap3A = arith.constant 0 : index
    %swap3A_19 = arith.constant 0 : index
    %swap3A_20 = vector.load %arg5[%swap3A, %swap3A_19] : memref<1024x64xf32, #tpu.memory_space<vmem>>, vector<1024x64xf32>
    tpu.vector_store %arg5[%swap3A, %swap3A_19], %add3A_18 {strides = array<i32>} : memref<1024x64xf32, #tpu.memory_space<vmem>>, vector<1024x64xf32>,
    return
  }
}

module attributes {stable_mosaic.version = 14 : i64} {
  func.func @_sub_fold_body(%arg0: memref<32x100000xf32, #tpu.memory_space<vmem>>, %arg1: memref<32x64xf32, #tpu.memory_space<vmem>>, %arg2: memref<50000x128xf32, #tpu.memory_space<vmem>>) attributes {dimension_semantics = [], scalar_prefetch = 0 : i64, scratch_operands = 0 : i64, tpu.core_type = #tpu.core_type<tc>} {
    %get3A = arith.constant 0 : index
    %get3A_0 = arith.constant 0 : index
    %get3A_1 = vector.load %arg0[%get3A, %get3A_0] : memref<32x100000xf32, #tpu.memory_space<vmem>>, vector<32x5000xf32>
    %get3A_2 = arith.constant 0 : index
    %get3A_3 = arith.constant 0 : index
    %get3A_4 = vector.load %arg1[%get3A_2, %get3A_3] : memref<32x64xf32, #tpu.memory_space<vmem>>, vector<32x64xf32>
    %dot_general3A = arith.constant dense<0.000000e+00> : vector<5000x64xf32>
    %dot_general3A_5 = tpu.matmul %get3A_1, %get3A_4, %dot_general3A {dimension_numbers = #tpu.dot_dimension_numbers<[0], [0], [1], [1], [0, 1, 1, 1], [], []>, transpose_lhs_hint = false} : vector<32x5000xf32>, vector<32x64xf32>, vector<5000x64xf32> -> vector<5000x64xf32>
    %get3A_6 = arith.constant 0 : index
    %get3A_7 = arith.constant 50000 : index
    %get3A_8 = vector.load %arg0[%get3A_6, %get3A_7] : memref<32x100000xf32, #tpu.memory_space<vmem>>, vector<32x5000xf32>
    %get3A_9 = arith.constant 0 : index
    %get3A_10 = arith.constant 0 : index
    %get3A_11 = vector.load %arg1[%get3A_9, %get3A_10] : memref<32x64xf32, #tpu.memory_space<vmem>>, vector<32x64xf32>
    %dot_general3A_12 = arith.constant dense<0.000000e+00> : vector<5000x64xf32>
    %dot_general3A_13 = tpu.matmul %get3A_8, %get3A_11, %dot_general3A_12 {dimension_numbers = #tpu.dot_dimension_numbers<[0], [0], [1], [1], [0, 1, 1, 1], [], []>, transpose_lhs_hint = false} : vector<32x5000xf32>, vector<32x64xf32>, vector<5000x64xf32> -> vector<5000x64xf32>
    %concatenate3A = tpu.concatenate %dot_general3A_5, %dot_general3A_13 in 1 : vector<5000x64xf32>, vector<5000x64xf32> -> vector<5000x128xf32>
    %swap3A = arith.constant 0 : index
    %swap3A_14 = arith.constant 0 : index
    %swap3A_15 = vector.load %arg2[%swap3A, %swap3A_14] : memref<50000x128xf32, #tpu.memory_space<vmem>>, vector<5000x128xf32>
    tpu.vector_store %arg2[%swap3A, %swap3A_14], %concatenate3A {strides = array<i32>} : memref<50000x128xf32, #tpu.memory_space<vmem>>, vector<5000x128xf32>,
    %get3A_16 = arith.constant 0 : index
    %get3A_17 = arith.constant 5000 : index
    %get3A_18 = vector.load %arg0[%get3A_16, %get3A_17] : memref<32x100000xf32, #tpu.memory_space<vmem>>, vector<32x5000xf32>
    %get3A_19 = arith.constant 0 : index
    %get3A_20 = arith.constant 0 : index
    %get3A_21 = vector.load %arg1[%get3A_19, %get3A_20] : memref<32x64xf32, #tpu.memory_space<vmem>>, vector<32x64xf32>
    %dot_general3A_22 = arith.constant dense<0.000000e+00> : vector<5000x64xf32>
    %dot_general3A_23 = tpu.matmul %get3A_18, %get3A_21, %dot_general3A_22 {dimension_numbers = #tpu.dot_dimension_numbers<[0], [0], [1], [1], [0, 1, 1, 1], [], []>, transpose_lhs_hint = false} : vector<32x5000xf32>, vector<32x64xf32>, vector<5000x64xf32> -> vector<5000x64xf32>
    %get3A_24 = arith.constant 0 : index
    %get3A_25 = arith.constant 55000 : index
    %get3A_26 = vector.load %arg0[%get3A_24, %get3A_25] : memref<32x100000xf32, #tpu.memory_space<vmem>>, vector<32x5000xf32>
    %get3A_27 = arith.constant 0 : index
    %get3A_28 = arith.constant 0 : index
    %get3A_29 = vector.load %arg1[%get3A_27, %get3A_28] : memref<32x64xf32, #tpu.memory_space<vmem>>, vector<32x64xf32>
    %dot_general3A_30 = arith.constant dense<0.000000e+00> : vector<5000x64xf32>
    %dot_general3A_31 = tpu.matmul %get3A_26, %get3A_29, %dot_general3A_30 {dimension_numbers = #tpu.dot_dimension_numbers<[0], [0], [1], [1], [0, 1, 1, 1], [], []>, transpose_lhs_hint = false} : vector<32x5000xf32>, vector<32x64xf32>, vector<5000x64xf32> -> vector<5000x64xf32>
    %concatenate3A_32 = tpu.concatenate %dot_general3A_23, %dot_general3A_31 in 1 : vector<5000x64xf32>, vector<5000x64xf32> -> vector<5000x128xf32>
    %swap3A_33 = arith.constant 5000 : index
    %swap3A_34 = arith.constant 0 : index
    %swap3A_35 = vector.load %arg2[%swap3A_33, %swap3A_34] : memref<50000x128xf32, #tpu.memory_space<vmem>>, vector<5000x128xf32>
    tpu.vector_store %arg2[%swap3A_33, %swap3A_34], %concatenate3A_32 {strides = array<i32>} : memref<50000x128xf32, #tpu.memory_space<vmem>>, vector<5000x128xf32>,
    %get3A_36 = arith.constant 0 : index
    %get3A_37 = arith.constant 10000 : index
    %get3A_38 = vector.load %arg0[%get3A_36, %get3A_37] : memref<32x100000xf32, #tpu.memory_space<vmem>>, vector<32x5000xf32>
    %get3A_39 = arith.constant 0 : index
    %get3A_40 = arith.constant 0 : index
    %get3A_41 = vector.load %arg1[%get3A_39, %get3A_40] : memref<32x64xf32, #tpu.memory_space<vmem>>, vector<32x64xf32>
    %dot_general3A_42 = arith.constant dense<0.000000e+00> : vector<5000x64xf32>
    %dot_general3A_43 = tpu.matmul %get3A_38, %get3A_41, %dot_general3A_42 {dimension_numbers = #tpu.dot_dimension_numbers<[0], [0], [1], [1], [0, 1, 1, 1], [], []>, transpose_lhs_hint = false} : vector<32x5000xf32>, vector<32x64xf32>, vector<5000x64xf32> -> vector<5000x64xf32>
    %get3A_44 = arith.constant 0 : index
    %get3A_45 = arith.constant 60000 : index
    %get3A_46 = vector.load %arg0[%get3A_44, %get3A_45] : memref<32x100000xf32, #tpu.memory_space<vmem>>, vector<32x5000xf32>
    %get3A_47 = arith.constant 0 : index
    %get3A_48 = arith.constant 0 : index
    %get3A_49 = vector.load %arg1[%get3A_47, %get3A_48] : memref<32x64xf32, #tpu.memory_space<vmem>>, vector<32x64xf32>
    %dot_general3A_50 = arith.constant dense<0.000000e+00> : vector<5000x64xf32>
    %dot_general3A_51 = tpu.matmul %get3A_46, %get3A_49, %dot_general3A_50 {dimension_numbers = #tpu.dot_dimension_numbers<[0], [0], [1], [1], [0, 1, 1, 1], [], []>, transpose_lhs_hint = false} : vector<32x5000xf32>, vector<32x64xf32>, vector<5000x64xf32> -> vector<5000x64xf32>
    %concatenate3A_52 = tpu.concatenate %dot_general3A_43, %dot_general3A_51 in 1 : vector<5000x64xf32>, vector<5000x64xf32> -> vector<5000x128xf32>
    %swap3A_53 = arith.constant 10000 : index
    %swap3A_54 = arith.constant 0 : index
    %swap3A_55 = vector.load %arg2[%swap3A_53, %swap3A_54] : memref<50000x128xf32, #tpu.memory_space<vmem>>, vector<5000x128xf32>
    tpu.vector_store %arg2[%swap3A_53, %swap3A_54], %concatenate3A_52 {strides = array<i32>} : memref<50000x128xf32, #tpu.memory_space<vmem>>, vector<5000x128xf32>,
    %get3A_56 = arith.constant 0 : index
    %get3A_57 = arith.constant 15000 : index
    %get3A_58 = vector.load %arg0[%get3A_56, %get3A_57] : memref<32x100000xf32, #tpu.memory_space<vmem>>, vector<32x5000xf32>
    %get3A_59 = arith.constant 0 : index
    %get3A_60 = arith.constant 0 : index
    %get3A_61 = vector.load %arg1[%get3A_59, %get3A_60] : memref<32x64xf32, #tpu.memory_space<vmem>>, vector<32x64xf32>
    %dot_general3A_62 = arith.constant dense<0.000000e+00> : vector<5000x64xf32>
    %dot_general3A_63 = tpu.matmul %get3A_58, %get3A_61, %dot_general3A_62 {dimension_numbers = #tpu.dot_dimension_numbers<[0], [0], [1], [1], [0, 1, 1, 1], [], []>, transpose_lhs_hint = false} : vector<32x5000xf32>, vector<32x64xf32>, vector<5000x64xf32> -> vector<5000x64xf32>
    %get3A_64 = arith.constant 0 : index
    %get3A_65 = arith.constant 65000 : index
    %get3A_66 = vector.load %arg0[%get3A_64, %get3A_65] : memref<32x100000xf32, #tpu.memory_space<vmem>>, vector<32x5000xf32>
    %get3A_67 = arith.constant 0 : index
    %get3A_68 = arith.constant 0 : index
    %get3A_69 = vector.load %arg1[%get3A_67, %get3A_68] : memref<32x64xf32, #tpu.memory_space<vmem>>, vector<32x64xf32>
    %dot_general3A_70 = arith.constant dense<0.000000e+00> : vector<5000x64xf32>
    %dot_general3A_71 = tpu.matmul %get3A_66, %get3A_69, %dot_general3A_70 {dimension_numbers = #tpu.dot_dimension_numbers<[0], [0], [1], [1], [0, 1, 1, 1], [], []>, transpose_lhs_hint = false} : vector<32x5000xf32>, vector<32x64xf32>, vector<5000x64xf32> -> vector<5000x64xf32>
    %concatenate3A_72 = tpu.concatenate %dot_general3A_63, %dot_general3A_71 in 1 : vector<5000x64xf32>, vector<5000x64xf32> -> vector<5000x128xf32>
    %swap3A_73 = arith.constant 15000 : index
    %swap3A_74 = arith.constant 0 : index
    %swap3A_75 = vector.load %arg2[%swap3A_73, %swap3A_74] : memref<50000x128xf32, #tpu.memory_space<vmem>>, vector<5000x128xf32>
    tpu.vector_store %arg2[%swap3A_73, %swap3A_74], %concatenate3A_72 {strides = array<i32>} : memref<50000x128xf32, #tpu.memory_space<vmem>>, vector<5000x128xf32>,
    %get3A_76 = arith.constant 0 : index
    %get3A_77 = arith.constant 20000 : index
    %get3A_78 = vector.load %arg0[%get3A_76, %get3A_77] : memref<32x100000xf32, #tpu.memory_space<vmem>>, vector<32x5000xf32>
    %get3A_79 = arith.constant 0 : index
    %get3A_80 = arith.constant 0 : index
    %get3A_81 = vector.load %arg1[%get3A_79, %get3A_80] : memref<32x64xf32, #tpu.memory_space<vmem>>, vector<32x64xf32>
    %dot_general3A_82 = arith.constant dense<0.000000e+00> : vector<5000x64xf32>
    %dot_general3A_83 = tpu.matmul %get3A_78, %get3A_81, %dot_general3A_82 {dimension_numbers = #tpu.dot_dimension_numbers<[0], [0], [1], [1], [0, 1, 1, 1], [], []>, transpose_lhs_hint = false} : vector<32x5000xf32>, vector<32x64xf32>, vector<5000x64xf32> -> vector<5000x64xf32>
    %get3A_84 = arith.constant 0 : index
    %get3A_85 = arith.constant 70000 : index
    %get3A_86 = vector.load %arg0[%get3A_84, %get3A_85] : memref<32x100000xf32, #tpu.memory_space<vmem>>, vector<32x5000xf32>
    %get3A_87 = arith.constant 0 : index
    %get3A_88 = arith.constant 0 : index
    %get3A_89 = vector.load %arg1[%get3A_87, %get3A_88] : memref<32x64xf32, #tpu.memory_space<vmem>>, vector<32x64xf32>
    %dot_general3A_90 = arith.constant dense<0.000000e+00> : vector<5000x64xf32>
    %dot_general3A_91 = tpu.matmul %get3A_86, %get3A_89, %dot_general3A_90 {dimension_numbers = #tpu.dot_dimension_numbers<[0], [0], [1], [1], [0, 1, 1, 1], [], []>, transpose_lhs_hint = false} : vector<32x5000xf32>, vector<32x64xf32>, vector<5000x64xf32> -> vector<5000x64xf32>
    %concatenate3A_92 = tpu.concatenate %dot_general3A_83, %dot_general3A_91 in 1 : vector<5000x64xf32>, vector<5000x64xf32> -> vector<5000x128xf32>
    %swap3A_93 = arith.constant 20000 : index
    %swap3A_94 = arith.constant 0 : index
    %swap3A_95 = vector.load %arg2[%swap3A_93, %swap3A_94] : memref<50000x128xf32, #tpu.memory_space<vmem>>, vector<5000x128xf32>
    tpu.vector_store %arg2[%swap3A_93, %swap3A_94], %concatenate3A_92 {strides = array<i32>} : memref<50000x128xf32, #tpu.memory_space<vmem>>, vector<5000x128xf32>,
    %get3A_96 = arith.constant 0 : index
    %get3A_97 = arith.constant 25000 : index
    %get3A_98 = vector.load %arg0[%get3A_96, %get3A_97] : memref<32x100000xf32, #tpu.memory_space<vmem>>, vector<32x5000xf32>
    %get3A_99 = arith.constant 0 : index
    %get3A_100 = arith.constant 0 : index
    %get3A_101 = vector.load %arg1[%get3A_99, %get3A_100] : memref<32x64xf32, #tpu.memory_space<vmem>>, vector<32x64xf32>
    %dot_general3A_102 = arith.constant dense<0.000000e+00> : vector<5000x64xf32>
    %dot_general3A_103 = tpu.matmul %get3A_98, %get3A_101, %dot_general3A_102 {dimension_numbers = #tpu.dot_dimension_numbers<[0], [0], [1], [1], [0, 1, 1, 1], [], []>, transpose_lhs_hint = false} : vector<32x5000xf32>, vector<32x64xf32>, vector<5000x64xf32> -> vector<5000x64xf32>
    %get3A_104 = arith.constant 0 : index
    %get3A_105 = arith.constant 75000 : index
    %get3A_106 = vector.load %arg0[%get3A_104, %get3A_105] : memref<32x100000xf32, #tpu.memory_space<vmem>>, vector<32x5000xf32>
    %get3A_107 = arith.constant 0 : index
    %get3A_108 = arith.constant 0 : index
    %get3A_109 = vector.load %arg1[%get3A_107, %get3A_108] : memref<32x64xf32, #tpu.memory_space<vmem>>, vector<32x64xf32>
    %dot_general3A_110 = arith.constant dense<0.000000e+00> : vector<5000x64xf32>
    %dot_general3A_111 = tpu.matmul %get3A_106, %get3A_109, %dot_general3A_110 {dimension_numbers = #tpu.dot_dimension_numbers<[0], [0], [1], [1], [0, 1, 1, 1], [], []>, transpose_lhs_hint = false} : vector<32x5000xf32>, vector<32x64xf32>, vector<5000x64xf32> -> vector<5000x64xf32>
    %concatenate3A_112 = tpu.concatenate %dot_general3A_103, %dot_general3A_111 in 1 : vector<5000x64xf32>, vector<5000x64xf32> -> vector<5000x128xf32>
    %swap3A_113 = arith.constant 25000 : index
    %swap3A_114 = arith.constant 0 : index
    %swap3A_115 = vector.load %arg2[%swap3A_113, %swap3A_114] : memref<50000x128xf32, #tpu.memory_space<vmem>>, vector<5000x128xf32>
    tpu.vector_store %arg2[%swap3A_113, %swap3A_114], %concatenate3A_112 {strides = array<i32>} : memref<50000x128xf32, #tpu.memory_space<vmem>>, vector<5000x128xf32>,
    %get3A_116 = arith.constant 0 : index
    %get3A_117 = arith.constant 30000 : index
    %get3A_118 = vector.load %arg0[%get3A_116, %get3A_117] : memref<32x100000xf32, #tpu.memory_space<vmem>>, vector<32x5000xf32>
    %get3A_119 = arith.constant 0 : index
    %get3A_120 = arith.constant 0 : index
    %get3A_121 = vector.load %arg1[%get3A_119, %get3A_120] : memref<32x64xf32, #tpu.memory_space<vmem>>, vector<32x64xf32>
    %dot_general3A_122 = arith.constant dense<0.000000e+00> : vector<5000x64xf32>
    %dot_general3A_123 = tpu.matmul %get3A_118, %get3A_121, %dot_general3A_122 {dimension_numbers = #tpu.dot_dimension_numbers<[0], [0], [1], [1], [0, 1, 1, 1], [], []>, transpose_lhs_hint = false} : vector<32x5000xf32>, vector<32x64xf32>, vector<5000x64xf32> -> vector<5000x64xf32>
    %get3A_124 = arith.constant 0 : index
    %get3A_125 = arith.constant 80000 : index
    %get3A_126 = vector.load %arg0[%get3A_124, %get3A_125] : memref<32x100000xf32, #tpu.memory_space<vmem>>, vector<32x5000xf32>
    %get3A_127 = arith.constant 0 : index
    %get3A_128 = arith.constant 0 : index
    %get3A_129 = vector.load %arg1[%get3A_127, %get3A_128] : memref<32x64xf32, #tpu.memory_space<vmem>>, vector<32x64xf32>
    %dot_general3A_130 = arith.constant dense<0.000000e+00> : vector<5000x64xf32>
    %dot_general3A_131 = tpu.matmul %get3A_126, %get3A_129, %dot_general3A_130 {dimension_numbers = #tpu.dot_dimension_numbers<[0], [0], [1], [1], [0, 1, 1, 1], [], []>, transpose_lhs_hint = false} : vector<32x5000xf32>, vector<32x64xf32>, vector<5000x64xf32> -> vector<5000x64xf32>
    %concatenate3A_132 = tpu.concatenate %dot_general3A_123, %dot_general3A_131 in 1 : vector<5000x64xf32>, vector<5000x64xf32> -> vector<5000x128xf32>
    %swap3A_133 = arith.constant 30000 : index
    %swap3A_134 = arith.constant 0 : index
    %swap3A_135 = vector.load %arg2[%swap3A_133, %swap3A_134] : memref<50000x128xf32, #tpu.memory_space<vmem>>, vector<5000x128xf32>
    tpu.vector_store %arg2[%swap3A_133, %swap3A_134], %concatenate3A_132 {strides = array<i32>} : memref<50000x128xf32, #tpu.memory_space<vmem>>, vector<5000x128xf32>,
    %get3A_136 = arith.constant 0 : index
    %get3A_137 = arith.constant 35000 : index
    %get3A_138 = vector.load %arg0[%get3A_136, %get3A_137] : memref<32x100000xf32, #tpu.memory_space<vmem>>, vector<32x5000xf32>
    %get3A_139 = arith.constant 0 : index
    %get3A_140 = arith.constant 0 : index
    %get3A_141 = vector.load %arg1[%get3A_139, %get3A_140] : memref<32x64xf32, #tpu.memory_space<vmem>>, vector<32x64xf32>
    %dot_general3A_142 = arith.constant dense<0.000000e+00> : vector<5000x64xf32>
    %dot_general3A_143 = tpu.matmul %get3A_138, %get3A_141, %dot_general3A_142 {dimension_numbers = #tpu.dot_dimension_numbers<[0], [0], [1], [1], [0, 1, 1, 1], [], []>, transpose_lhs_hint = false} : vector<32x5000xf32>, vector<32x64xf32>, vector<5000x64xf32> -> vector<5000x64xf32>
    %get3A_144 = arith.constant 0 : index
    %get3A_145 = arith.constant 85000 : index
    %get3A_146 = vector.load %arg0[%get3A_144, %get3A_145] : memref<32x100000xf32, #tpu.memory_space<vmem>>, vector<32x5000xf32>
    %get3A_147 = arith.constant 0 : index
    %get3A_148 = arith.constant 0 : index
    %get3A_149 = vector.load %arg1[%get3A_147, %get3A_148] : memref<32x64xf32, #tpu.memory_space<vmem>>, vector<32x64xf32>
    %dot_general3A_150 = arith.constant dense<0.000000e+00> : vector<5000x64xf32>
    %dot_general3A_151 = tpu.matmul %get3A_146, %get3A_149, %dot_general3A_150 {dimension_numbers = #tpu.dot_dimension_numbers<[0], [0], [1], [1], [0, 1, 1, 1], [], []>, transpose_lhs_hint = false} : vector<32x5000xf32>, vector<32x64xf32>, vector<5000x64xf32> -> vector<5000x64xf32>
    %concatenate3A_152 = tpu.concatenate %dot_general3A_143, %dot_general3A_151 in 1 : vector<5000x64xf32>, vector<5000x64xf32> -> vector<5000x128xf32>
    %swap3A_153 = arith.constant 35000 : index
    %swap3A_154 = arith.constant 0 : index
    %swap3A_155 = vector.load %arg2[%swap3A_153, %swap3A_154] : memref<50000x128xf32, #tpu.memory_space<vmem>>, vector<5000x128xf32>
    tpu.vector_store %arg2[%swap3A_153, %swap3A_154], %concatenate3A_152 {strides = array<i32>} : memref<50000x128xf32, #tpu.memory_space<vmem>>, vector<5000x128xf32>,
    %get3A_156 = arith.constant 0 : index
    %get3A_157 = arith.constant 40000 : index
    %get3A_158 = vector.load %arg0[%get3A_156, %get3A_157] : memref<32x100000xf32, #tpu.memory_space<vmem>>, vector<32x5000xf32>
    %get3A_159 = arith.constant 0 : index
    %get3A_160 = arith.constant 0 : index
    %get3A_161 = vector.load %arg1[%get3A_159, %get3A_160] : memref<32x64xf32, #tpu.memory_space<vmem>>, vector<32x64xf32>
    %dot_general3A_162 = arith.constant dense<0.000000e+00> : vector<5000x64xf32>
    %dot_general3A_163 = tpu.matmul %get3A_158, %get3A_161, %dot_general3A_162 {dimension_numbers = #tpu.dot_dimension_numbers<[0], [0], [1], [1], [0, 1, 1, 1], [], []>, transpose_lhs_hint = false} : vector<32x5000xf32>, vector<32x64xf32>, vector<5000x64xf32> -> vector<5000x64xf32>
    %get3A_164 = arith.constant 0 : index
    %get3A_165 = arith.constant 90000 : index
    %get3A_166 = vector.load %arg0[%get3A_164, %get3A_165] : memref<32x100000xf32, #tpu.memory_space<vmem>>, vector<32x5000xf32>
    %get3A_167 = arith.constant 0 : index
    %get3A_168 = arith.constant 0 : index
    %get3A_169 = vector.load %arg1[%get3A_167, %get3A_168] : memref<32x64xf32, #tpu.memory_space<vmem>>, vector<32x64xf32>
    %dot_general3A_170 = arith.constant dense<0.000000e+00> : vector<5000x64xf32>
    %dot_general3A_171 = tpu.matmul %get3A_166, %get3A_169, %dot_general3A_170 {dimension_numbers = #tpu.dot_dimension_numbers<[0], [0], [1], [1], [0, 1, 1, 1], [], []>, transpose_lhs_hint = false} : vector<32x5000xf32>, vector<32x64xf32>, vector<5000x64xf32> -> vector<5000x64xf32>
    %concatenate3A_172 = tpu.concatenate %dot_general3A_163, %dot_general3A_171 in 1 : vector<5000x64xf32>, vector<5000x64xf32> -> vector<5000x128xf32>
    %swap3A_173 = arith.constant 40000 : index
    %swap3A_174 = arith.constant 0 : index
    %swap3A_175 = vector.load %arg2[%swap3A_173, %swap3A_174] : memref<50000x128xf32, #tpu.memory_space<vmem>>, vector<5000x128xf32>
    tpu.vector_store %arg2[%swap3A_173, %swap3A_174], %concatenate3A_172 {strides = array<i32>} : memref<50000x128xf32, #tpu.memory_space<vmem>>, vector<5000x128xf32>,
    %get3A_176 = arith.constant 0 : index
    %get3A_177 = arith.constant 45000 : index
    %get3A_178 = vector.load %arg0[%get3A_176, %get3A_177] : memref<32x100000xf32, #tpu.memory_space<vmem>>, vector<32x5000xf32>
    %get3A_179 = arith.constant 0 : index
    %get3A_180 = arith.constant 0 : index
    %get3A_181 = vector.load %arg1[%get3A_179, %get3A_180] : memref<32x64xf32, #tpu.memory_space<vmem>>, vector<32x64xf32>
    %dot_general3A_182 = arith.constant dense<0.000000e+00> : vector<5000x64xf32>
    %dot_general3A_183 = tpu.matmul %get3A_178, %get3A_181, %dot_general3A_182 {dimension_numbers = #tpu.dot_dimension_numbers<[0], [0], [1], [1], [0, 1, 1, 1], [], []>, transpose_lhs_hint = false} : vector<32x5000xf32>, vector<32x64xf32>, vector<5000x64xf32> -> vector<5000x64xf32>
    %get3A_184 = arith.constant 0 : index
    %get3A_185 = arith.constant 95000 : index
    %get3A_186 = vector.load %arg0[%get3A_184, %get3A_185] : memref<32x100000xf32, #tpu.memory_space<vmem>>, vector<32x5000xf32>
    %get3A_187 = arith.constant 0 : index
    %get3A_188 = arith.constant 0 : index
    %get3A_189 = vector.load %arg1[%get3A_187, %get3A_188] : memref<32x64xf32, #tpu.memory_space<vmem>>, vector<32x64xf32>
    %dot_general3A_190 = arith.constant dense<0.000000e+00> : vector<5000x64xf32>
    %dot_general3A_191 = tpu.matmul %get3A_186, %get3A_189, %dot_general3A_190 {dimension_numbers = #tpu.dot_dimension_numbers<[0], [0], [1], [1], [0, 1, 1, 1], [], []>, transpose_lhs_hint = false} : vector<32x5000xf32>, vector<32x64xf32>, vector<5000x64xf32> -> vector<5000x64xf32>
    %concatenate3A_192 = tpu.concatenate %dot_general3A_183, %dot_general3A_191 in 1 : vector<5000x64xf32>, vector<5000x64xf32> -> vector<5000x128xf32>
    %swap3A_193 = arith.constant 45000 : index
    %swap3A_194 = arith.constant 0 : index
    %swap3A_195 = vector.load %arg2[%swap3A_193, %swap3A_194] : memref<50000x128xf32, #tpu.memory_space<vmem>>, vector<5000x128xf32>
    tpu.vector_store %arg2[%swap3A_193, %swap3A_194], %concatenate3A_192 {strides = array<i32>} : memref<50000x128xf32, #tpu.memory_space<vmem>>, vector<5000x128xf32>,
    return
  }
}

</mosaic_0001>

<sc_bundles>
// kernel: kernel.5.cloned.1.call-start
scs
__scs_entry_jumppad:
0x0: {  	(pc) =	sbr.rel $0x88, $3  }
0x1: {  	(tag) =	ssettag $0x0;
	lr =	simm.s32 $0x1  }
0x2: {  	[smem:$0x3F99] =	sst lr;
	_ =	strace $0xD0000000  }
0x3: {  	_ = 	snop  }
0x4: {  	_ = 	snop  }
0x5: {  	_ = 	snop  }
0x6: {  	_ = 	snop  }
0x7: {  	_ = 	snop  }
__scs_overlays_trampoline_lowered:
0x8: {  	[smem:$0x3FA8] =	sst s0  }
0x9: {  	[smem:$0x3FA9] =	sst s1  }
0xa: {  	[smem:$0x3FAA] =	sst s2  }
0xb: {  	[smem:$0x3FAB] =	sst s3  }
0xc: {  	[smem:$0x3FAC] =	sst s4  }
0xd: {  	[smem:$0x3FAD] =	sst s5  }
0xe: {  	[smem:$0x3FAE] =	sst s6  }
0xf: {  	[smem:$0x3FAF] =	sst s7  }
0x10: {  	[smem:$0x3FB0] =	sst s8  }
0x11: {  	[smem:$0x3FB1] =	sst s9;
	s0 =	simm.s32 @!p0 $0x0  }
0x12: {  	s1 =	sld [smem:$0x3F97];
	s0 =	simm.s32 @p0 $0x1  }
0x13: {  	[smem:$0x3FB2] =	sst s0;
	s0 =	simm.s32 @!p1 $0x0  }
0x14: {  	s2 =	sld [smem:$0x3F96];
	s0 =	simm.s32 @p1 $0x1  }
0x15: {  	[smem:$0x3FB3] =	sst s0;
	s0 =	simm.s32 @!p2 $0x0  }
0x16: {  	s3 =	sld [smem:$0x3FDB];
	s0 =	simm.s32 @p2 $0x1  }
0x17: {  	s4 =	simm.s32 $0x1BF5;
	[smem:$0x3FB5] =	sst s0  }
0x18: {  	s0 =	sld [smem:$0x3F98];
	_ =	swait.ge [sflag:s4], $0x0  }
0x19: {  	s7 =	sld [smem:$0x3F99]  }
0x1a: {  	s8 =	sadd.s32 $0xFFFFE003, lr  }
0x1b: {  	s9 =	sadd.s32 $0xFFFFFEF7, lr;
	s5 =	simm.s32 $0xFFFFFFFF;
	p2 =	slt.u32 s8, $0xFFFFF086  }
0x1c: {  	p1 =	slt.u32 s9, $0xF7A;
	s5 =	simm.s32 @!p2 $0x0  }
0x1d: {  	s5 =	simm.s32 @p1 $0x1;
	p0 =	seq.s32 s7, s2  }
0x1e: {  	s7 =	smul.u32 @!p0 $0xF7A, s2;
	p2 =	seq.s32 @!p0 s5, $0x0  }
0x1f: {  	s9 =	smul.u32 $0xF7A, s1;
	s8 =	simm.s32 @!p0 $0x1BF5;
	p2 =	por !p2, p0  }
0x20: {  	[sflag:s8] =	ssyncset.s32 @!p0 $0xFFFFF086;
	s6 =	sadd.s32 @!p0 s3, s7;
	s7 =	simm.s32 @!p0 $0x108  }
0x21: {  	s3 =	sadd.s32 s3, s9;
	s6 =	sadd.s32 @!p0 $0x88, s6;
	s7 =	simm.s32 @p2 $0x1082  }
0x22: {  	[simem:s7], [sflag:s8] =	dma.local @!p0 [hbm:s6], $0xF7A  }
0x23: {  	s9 =	sor.u32 $0xD0000000, s2;
	s6 =	simm.s32 $0x108;
	_ =	swait.ge @!p0 [sflag:s8], $0x0  }
0x24: {  	s3 =	sadd.s32 $0x88, s3;
	s6 =	simm.s32 @!p1 $0x1082;
	[sflag:s4] =	ssyncset.s32 $0xFFFFF086  }
0x25: {  	[simem:s6], [sflag:s4] =	dma.local [hbm:s3], $0xF7A  }
0x26: {  	[smem:$0x3F99] =	sst s1;
	(tag) =	ssettag s2;
	_ =	strace s9  }
0x27: {  	s1 =	sld [smem:$0x3FA9]  }
0x28: {  	s2 =	sld [smem:$0x3FAA]  }
0x29: {  	s4 =	sld [smem:$0x3FAC]  }
0x2a: {  	p0 =	seq.s32 s5, $0x0;
	s5 =	sld [smem:$0x3FAD]  }
0x2b: {  	s6 =	sld [smem:$0x3FAE]  }
0x2c: {  	s7 =	sld [smem:$0x3FAF]  }
0x2d: {  	s3 =	simm.s32 $0x108;
	s8 =	sld [smem:$0x3FB0]  }
0x2e: {  	s3 =	simm.s32 @!p0 $0x1082;
	s9 =	sld [smem:$0x3FB1]  }
0x2f: {  	lr =	sadd.s32 s0, s3;
	s0 =	sld [smem:$0x3FA8]  }
0x30: {  	s3 =	sld [smem:$0x3FAB]  }
0x31: {  	[smem:$0x3FB4] =	sst s10  }
0x32: {  	s10 =	sld [smem:$0x3FB2];
	_ =	sdelay $0x3  }
0x33: {  	p0 =	seq.s32 s10, $0x1;
	s10 =	sld [smem:$0x3FB4];
	_ =	sdelay $0x3  }
0x34: {  	[smem:$0x3FB4] =	sst s10  }
0x35: {  	s10 =	sld [smem:$0x3FB3];
	_ =	sdelay $0x3  }
0x36: {  	p1 =	seq.s32 s10, $0x1;
	s10 =	sld [smem:$0x3FB4];
	_ =	sdelay $0x3  }
0x37: {  	[smem:$0x3FB4] =	sst s10  }
0x38: {  	s10 =	sld [smem:$0x3FB5]  }
0x39: {  	_ = 	snop;
	(pc) =	sbr.ind lr, $3  }
0x3a: {  	_ = 	snop  }
0x3b: {  	_ = 	snop  }
0x3c: {  	p2 =	seq.s32 s10, $0x1;
	s10 =	sld [smem:$0x3FB4]  }
0x3d: {  	_ =	shalt  }
0x3e: {  	_ =	shalt  }
0x3f: {  	_ =	shalt  }
0x40: {  	_ =	shalt  }
0x41: {  	_ =	shalt  }
0x42: {  	_ =	shalt  }
0x43: {  	_ =	shalt  }
0x44: {  	_ =	shalt  }
0x45: {  	_ =	shalt  }
0x46: {  	_ =	shalt  }
0x47: {  	_ =	shalt  }
0x48: {  	_ =	shalt  }
0x49: {  	_ =	shalt  }
0x4a: {  	_ =	shalt  }
0x4b: {  	_ =	shalt  }
0x4c: {  	_ =	shalt  }
0x4d: {  	_ =	shalt  }
0x4e: {  	_ =	shalt  }
0x4f: {  	_ =	shalt  }
0x50: {  	_ =	shalt  }
0x51: {  	_ =	shalt  }
0x52: {  	_ =	shalt  }
0x53: {  	_ =	shalt  }
0x54: {  	_ =	shalt  }
0x55: {  	_ =	shalt  }
0x56: {  	_ =	shalt  }
0x57: {  	_ =	shalt  }
0x58: {  	_ =	shalt  }
0x59: {  	_ =	shalt  }
0x5a: {  	_ =	shalt  }
0x5b: {  	_ =	shalt  }
0x5c: {  	_ =	shalt  }
0x5d: {  	_ =	shalt  }
0x5e: {  	_ =	shalt  }
0x5f: {  	_ =	shalt  }
0x60: {  	_ =	shalt  }
0x61: {  	_ =	shalt  }
0x62: {  	_ =	shalt  }
0x63: {  	_ =	shalt  }
0x64: {  	_ =	shalt  }
0x65: {  	_ =	shalt  }
0x66: {  	_ =	shalt  }
0x67: {  	_ =	shalt  }
0x68: {  	_ =	shalt  }
0x69: {  	_ =	shalt  }
0x6a: {  	_ =	shalt  }
0x6b: {  	_ =	shalt  }
0x6c: {  	_ =	shalt  }
0x6d: {  	_ =	shalt  }
0x6e: {  	_ =	shalt  }
0x6f: {  	_ =	shalt  }
0x70: {  	_ =	shalt  }
0x71: {  	_ =	shalt  }
0x72: {  	_ =	shalt  }
0x73: {  	_ =	shalt  }
0x74: {  	_ =	shalt  }
0x75: {  	_ =	shalt  }
0x76: {  	_ =	shalt  }
0x77: {  	_ =	shalt  }
0x78: {  	_ =	shalt  }
0x79: {  	_ =	shalt  }
0x7a: {  	_ =	shalt  }
0x7b: {  	_ =	shalt  }
0x7c: {  	_ =	shalt  }
0x7d: {  	_ =	shalt  }
0x7e: {  	_ =	shalt  }
0x7f: {  	_ =	shalt  }
0x80: {  	_ =	shalt  }
0x81: {  	_ =	shalt  }
0x82: {  	_ =	shalt  }
0x83: {  	_ =	shalt  }
0x84: {  	_ =	shalt  }
0x85: {  	_ =	shalt  }
0x86: {  	_ =	shalt  }
0x87: {  	_ =	shalt  }
.Lfunc_end0:
.L_simem_size_0:
called_computation.1_lowered:
.L_overlay_start_0:
0x88: {  	s2 =	sld [smem:$0x3FD9]  }
0x89: {  	s3 =	sld [smem:$0x3FFE];
	_ =	sdelay $0x1  }
0x8a: {  	s1 =	srdreg.scid  }
0x8b: {  	s0 =	sand.u32 $0x1, s1  }
0x8c: {  	s17 =	sshll.u32 s0, $0xA;
	s2 =	sadd.s32 s3, s2  }
0x8d: {  	s2 =	sadd.s32 s2, s17  }
0x8e: {  	[smem:$0x3FC0] =	sst s2  }
0x8f: {  	_ = 	snop  }
0x90: {  	s2 =	sld [smem:$0x3FD0];
	(tm) =	ssettm $0x1  }
0x91: {  	s18 =	sld [smem:$0x3FFB];
	_ =	sdelay $0x3  }
0x92: {  	_ =	strace s18  }
0x93: {  	s3 =	sld [smem:$0x3FFC];
	_ =	sdelay $0x3  }
0x94: {  	_ =	strace s3  }
0x95: {  	s3 =	sld [smem:$0x3FFD];
	_ =	sdelay $0x3  }
0x96: {  	_ =	strace s3  }
0x97: {  	_ =	strace $0x8FFFFFFF  }
0x98: {  	s19 =	sld [smem:$0x3FDB];
	_ =	sdelay $0x1  }
0x99: {  	s4 =	simm.s32 $_scs_section_size  }
0x9a: {  	s5 =	simm.s32 $_size__tile_overlayer_lowered;
	s6 =	simm.s32 $_tile_overlayer_lowered  }
0x9b: {  	s22 =	simm.s32 $0x1BFF;
	s21 =	sshll.u32 s6, $0x1;
	s3 =	sadd.s32 s4, s19  }
0x9c: {  	s7 =	simm.s32 $0x0;
	s20 =	sshll.u32 s5, $0x1;
	s5 =	sadd.s32 s21, s3  }
0x9d: {  	[timem:s7], [sflag:s22] =	dma.local [hbm:s5], s20  }
0x9e: {  	_ =	swait.ge [sflag:s22], s20  }
0x9f: {  	s4 =	ssub.s32 $0x0, s20;
	[sflag:s22] =	ssyncset.done $0x0  }
0xa0: {  	[sflag:s22] =	ssyncadd.s32 s4;
	_ =	sdelay $0x1  }
0xa1: {  	s23 =	simm.s32 $0x1B8B  }
0xa2: {  	_ =	swait.ge [sflag:s23], $0x1  }
0xa3: {  	[sflag:s23] =	ssyncset.done $0x0  }
0xa4: {  	s25 =	simm.s32 $0x1B8E;
	s24 =	sld [smem:$0x3FFE];
	[sflag:s23] =	ssyncadd.s32 $0xFFFFFFFF  }
0xa5: {  	s26 =	simm.s32 $execute0_lowered;
	[smem:$0x3FD2] =	sst s25  }
0xa6: {  	s5 =	sshll.u32 s26, $0x1;
	_ =	strace $0x80000046;
	[dreg:$0x1] =	wrdreg $0xFFFFFFFF  }
0xa7: {  	s28 =	simm.s32 $_size_execute0_lowered;
	s3 =	sadd.s32 s3, s5;
	[dreg:$0x0] =	wrdreg $0x0  }
0xa8: {  	s5 =	sshll.u32 s28, $0x1;
	[dreg:$0x2] =	wrdreg s3  }
0xa9: {  	[dreg:$0x3] =	wrdreg s5  }
0xaa: {  	[dreg:$0x4] =	wrdreg $0xC0  }
0xab: {  	_ =	task [dreg:s7], $0x5FFFF  }
0xac: {  	[dreg:$0x1] =	wrdreg $0xFFFFFFFF  }
0xad: {  	[dreg:$0x0] =	wrdreg $0x60  }
0xae: {  	[dreg:$0x2] =	wrdreg s24  }
0xaf: {  	[dreg:$0x3] =	wrdreg s2  }
0xb0: {  	[dreg:$0x4] =	wrdreg $0x108000  }
0xb1: {  	[dreg:$0x5] =	wrdreg $0x9  }
0xb2: {  	_ =	task.clear_ibuf [dreg:s7], $0x6FFFF;
	_ =	strace $0x90000046  }
0xb3: {  	s29 =	simm.s32 $0x9;
	_ =	strace $0x80000048  }
0xb4: {  	_ =	swait.ge [sflag:s29], $0x1  }
0xb5: {  	[sflag:s29] =	ssyncadd.s32 $0xFFFFFFFF  }
0xb6: {  	_ =	strace $0x90000048  }
0xb7: {  	_ =	sfence  }
0xb8: {  	s30 =	sld [smem:$0x0];
	_ =	sdelay $0x2  }
0xb9: {  	s31 =	sshll.u32 s1, $0xD;
	s1 =	sshrl.u32 s1, $0x2  }
0xba: {  	s3 =	sand.u32 $0x4000, s31;
	s1 =	sadd.s32 s1, s30  }
0xbb: {  	s0 =	sor.u32 s3, s0;
	s1 =	sshll.u32 s1, $0x11  }
0xbc: {  	s0 =	sor.u32 s1, s0  }
0xbd: {  	s0 =	sadd.s32 $0x8F2B, s0  }
0xbe: {  	[sflag:s0] =	ssyncadd.remote.s32 $0x1  }
0xbf: {  	_ =	sfence.sel $0xFFFF  }
0xc0: {  	[dreg:$0x0] =	wrdreg $0xFFFFFFFF;
	(pc) =	sbr.abs _section_cstart, $3  }
0xc1: {  	[dreg:$0x1] =	wrdreg $0xFFFFFFFF  }
0xc2: {  	_ =	task.clear_ibuf [dreg:s7], $0x2FFFF;
	_ =	strace $0x9FFFFFFF  }
0xc3: {  	(tm) =	ssettm $0x7FFFFFFF  }
tec
execute0_lowered:
.L_overlay_start_1:
0x0: {  	(tag) =	ssettag $0x1  }
0x1: {  	s0 =	rddreg [dreg:$0x0]  }
0x2: {  	s1 =	rddreg [dreg:$0x1]  }
0x3: {  	s3 =	rddreg [dreg:$0x2];
	s2 =	simm.s32 $0x0;
	s12 =	stileid.u32  }
0x4: {  	s4 =	srdreg.scid;
	s30 =	simm.s32 $0x8800;
	s28 =	simm.s32 $0x6  }
0x5: {  	s29 =	simm.s32 $0x4;
	[smem:$0x7FF] =	sst s2;
	s17 =	sshll.u32 s12, $0x9  }
0x6: {  	s4 =	sand.u32 $0x1, s4;
	s6 =	sshll.u32 s12, $0x1;
	s5 =	sadd.s32 $0x1D200, s0  }
0x7: {  	s13 =	sadd.s32 $0x36200, s0;
	s18 =	sshll.u32 s12, $0xC;
	s26 =	smul.u32 $0xC800, s12  }
0x8: {  	s19 =	sshll.u32 s12, $0x6;
	s15 =	smul.u32 $0x640000, s12;
	s12 =	simm.s32 $0x40  }
0x9: {  	_ =	strace $0x80000047;
	s2 =	sadd.s32 s17, s0;
	s7 =	ssub.s32 $0x2, s4  }
0xa: {  	s8 =	sor.u32 s4, s6;
	s6 =	sadd.s32 $0x4200, s0;
	s31 =	smul.u32 $0x6400, s4  }
0xb: {  	s20 =	sor.u32 $0x1C0D, s19;
	s4 =	smul.u32 $0x320000, s4;
	[dreg:$0x4] =	wrdreg s13  }
0xc: {  	s9 =	sshrl.u32 s7, $0x1;
	s8 =	smul.u32 $0x6400, s8;
	s2 =	sadd.s32 $0x2200, s2  }
0xd: {  	[dreg:$0x6] =	wrdreg s20;
	s0 =	ssub.s32 s7, s9;
	s7 =	sadd.s32 s18, s3  }
0xe: {  	[dreg:$0x5] =	wrdreg s2;
	s9 =	sadd.s32 s31, s26;
	s16 =	sadd.s32 $0x1FFFF00, s8  }
0xf: {  	s10 =	sshrl.u32 s8, $0x3;
	s8 =	sor.u32 $0x300, s8;
	[dreg:$0xf] =	wrdreg s16  }
0x10: {  	s17 =	sadd.s32 $0x500, s9;
	s0 =	smax.u32 s0, $0x1;
	[dreg:$0x10] =	wrdreg s8  }
0x11: {  	s31 =	sshrl.u32 s7, $0x3;
	s7 =	simm.s32 $0x0;
	[dreg:$0x11] =	wrdreg s0  }
0x12: {  	s21 =	sor.u32 $0x20, s10;
	s22 =	sadd.s32 s5, s10;
	[dreg:$0x1a] =	wrdreg s31  }
0x13: {  	s23 =	sadd.s32 s6, s10;
	s25 =	sor.u32 $0x40, s10;
	[dreg:$0x7] =	wrdreg s22  }
0x14: {  	s10 =	sor.u32 $0x60, s10;
	[dreg:$0x8] =	wrdreg s23;
	s24 =	sadd.s32 s5, s21  }
0x15: {  	s18 =	sshrl.u32 s17, $0x3;
	s2 =	sadd.s32 s6, s21;
	[dreg:$0x9] =	wrdreg s24  }
0x16: {  	s16 =	simm.s32 $0x4800;
	s11 =	sadd.s32 s5, s25;
	[dreg:$0xa] =	wrdreg s2  }
0x17: {  	s17 =	simm.s32 $0xC;
	s14 =	sadd.s32 s5, s10;
	[dreg:$0xb] =	wrdreg s11  }
0x18: {  	s10 =	sadd.s32 s6, s10;
	s19 =	sadd.s32 s18, s6;
	[dreg:$0xd] =	wrdreg s14  }
0x19: {  	s0 =	sadd.s32 s18, s5;
	s21 =	sor.u32 $0x200, s9;
	[dreg:$0xe] =	wrdreg s10  }
0x1a: {  	s18 =	simm.s32 $0x2800;
	s2 =	sadd.s32 s6, s25;
	[dreg:$0x12] =	wrdreg s19  }
0x1b: {  	[dreg:$0x13] =	wrdreg s0;
	s23 =	sshrl.u32 s21, $0x3;
	s24 =	sadd.s32 $0x400, s9  }
0x1c: {  	s25 =	sshll.u32 s9, $0x4;
	s14 =	simm.s32 $0x800;
	[dreg:$0xc] =	wrdreg s2  }
0x1d: {  	s19 =	simm.s32 $0x7;
	s2 =	sadd.s32 s4, s15;
	[dreg:$0x16] =	wrdreg s24  }
0x1e: {  	s4 =	sadd.s32 s23, s6;
	s26 =	sadd.s32 $0x1FFFE000, s25;
	s24 =	simm.s32 $0xA  }
0x1f: {  	s20 =	sor.u32 $0x8000, s2;
	s2 =	sshrl.u32 s2, $0x3;
	[dreg:$0x17] =	wrdreg s4  }
.Ltmp0:
0x20: {  	[dreg:$0x19] =	wrdreg s26;
	s26 =	simm.s32 $0xA800;
	(pc) =	sbr.rel .LBB2_1-.Ltmp0, $4  }
0x21: {  	s0 =	sshrl.u32 s20, $0x3;
	s22 =	sadd.s32 s2, s13;
	s20 =	simm.s32 $0x6800  }
0x22: {  	s2 =	simm.s32 $0x2;
	s0 =	sadd.s32 s0, s13;
	[dreg:$0x15] =	wrdreg s22  }
0x23: {  	s13 =	simm.s32 $0x80;
	[dreg:$0x14] =	wrdreg s0;
	s0 =	sadd.s32 s23, s5  }
0x24: {  	s23 =	simm.s32 $0x5;
	[dreg:$0x18] =	wrdreg s0;
	s0 =	simm.s32 $0x8  }
.LBB2_14:
0x25: {  	s4 =	simm.s32 $0x9  }
0x26: {  	_ =	swait.ge [sflag:s4], $0x4000  }
0x27: {  	[sflag:s4] =	ssyncset.done $0x0  }
0x28: {  	[sflag:s4] =	ssyncadd.s32 $0xFFFFC000  }
0x29: {  	_ =	swait.ge [sflag:s24], $0x4000  }
0x2a: {  	[sflag:s24] =	ssyncset.done $0x0  }
0x2b: {  	s25 =	simm.s32 $0xB;
	[sflag:s24] =	ssyncadd.s32 $0xFFFFC000  }
0x2c: {  	_ =	swait.ge [sflag:s25], $0x4000  }
0x2d: {  	[sflag:s25] =	ssyncset.done $0x0  }
0x2e: {  	[sflag:s25] =	ssyncadd.s32 $0xFFFFC000  }
0x2f: {  	_ =	swait.ge [sflag:s17], $0x4000  }
0x30: {  	s7 =	rddreg [dreg:$0x1b]  }
0x31: {  	s31 =	rddreg [dreg:$0x11];
	s7 =	sadd.s32 $0x1, s7  }
0x32: {  	p0 =	sne.s32 s7, s31  }
.Ltmp1:
0x33: {  	_ = 	snop;
	(pc) =	sbr.rel @!p0 .LBB2_15-.Ltmp1, $3  }
0x34: {  	_ =	sdelay $0x1  }
0x35: {  	[sflag:s17] =	ssyncset.done $0x0  }
0x36: {  	[sflag:s17] =	ssyncadd.s32 $0xFFFFC000  }
.LBB2_1:
0x37: {  	[dreg:$0x1b] =	wrdreg s7  }
0x38: {  	s4 =	rddreg [dreg:$0x5]  }
0x39: {  	s21 =	rddreg [dreg:$0x6]  }
0x3a: {  	s8 =	rddreg [dreg:$0x1a]  }
0x3b: {  	[spmem:s8], [sflag:s21] =	dma.local [hbm:s4], $0x200  }
0x3c: {  	s8 =	simm.s32 $0xD  }
0x3d: {  	_ =	swait.ge [sflag:s8], $0x200  }
0x3e: {  	[sflag:s8] =	ssyncset.done $0x0  }
0x3f: {  	s4 =	simm.s32 $0x0;
	s22 =	rddreg [dreg:$0x7];
	[sflag:s8] =	ssyncadd.s32 $0xFFFFFE00  }
0x40: {  	[tilespmem:s4], [sflag:$0xD] =	stream.linear.gather [hbm4b:s22+s4], $0x100, $0x38;
	[tilespmem:$0x11800] =	vst v63  }
0x41: {  	_ =	swait.ge [sflag:s8], $0x100  }
0x42: {  	[sflag:s8] =	ssyncset.done $0x0  }
0x43: {  	s9 =	simm.s32 $0x100;
	s25 =	rddreg [dreg:$0x8];
	[sflag:s8] =	ssyncadd.s32 $0xFFFFFF00  }
0x44: {  	[tilespmem:s9], [sflag:$0xD] =	stream.linear.gather [hbm4b:s25+s4], $0x100, $0x38;
	[tilespmem:$0x11800] =	vst v63  }
0x45: {  	_ =	swait.ge [sflag:s8], $0x100  }
0x46: {  	[sflag:s8] =	ssyncset.done $0x0  }
0x47: {  	s11 =	simm.s32 $0x200;
	s10 =	rddreg [dreg:$0x9];
	[sflag:s8] =	ssyncadd.s32 $0xFFFFFF00  }
0x48: {  	[tilespmem:s11], [sflag:$0xD] =	stream.linear.gather [hbm4b:s10+s4], $0x100, $0x38;
	[tilespmem:$0x11800] =	vst v63  }
0x49: {  	_ =	swait.ge [sflag:s8], $0x100  }
0x4a: {  	[sflag:s8] =	ssyncset.done $0x0  }
0x4b: {  	s21 =	simm.s32 $0x300;
	s15 =	rddreg [dreg:$0xa];
	[sflag:s8] =	ssyncadd.s32 $0xFFFFFF00  }
0x4c: {  	[tilespmem:s21], [sflag:$0xD] =	stream.linear.gather [hbm4b:s15+s4], $0x100, $0x38;
	[tilespmem:$0x11800] =	vst v63  }
0x4d: {  	_ =	swait.ge [sflag:s8], $0x100  }
0x4e: {  	[sflag:s8] =	ssyncset.done $0x0  }
0x4f: {  	s25 =	simm.s32 $0x400;
	s22 =	rddreg [dreg:$0xb];
	[sflag:s8] =	ssyncadd.s32 $0xFFFFFF00  }
0x50: {  	[tilespmem:s25], [sflag:$0xD] =	stream.linear.gather [hbm4b:s22+s4], $0x100, $0x38;
	[tilespmem:$0x11800] =	vst v63  }
0x51: {  	_ =	swait.ge [sflag:s8], $0x100  }
0x52: {  	[sflag:s8] =	ssyncset.done $0x0  }
0x53: {  	s10 =	simm.s32 $0x500;
	s9 =	rddreg [dreg:$0xc];
	[sflag:s8] =	ssyncadd.s32 $0xFFFFFF00  }
0x54: {  	[tilespmem:s10], [sflag:$0xD] =	stream.linear.gather [hbm4b:s9+s4], $0x100, $0x38;
	[tilespmem:$0x11800] =	vst v63  }
0x55: {  	_ =	swait.ge [sflag:s8], $0x100  }
0x56: {  	[sflag:s8] =	ssyncset.done $0x0  }
0x57: {  	s15 =	simm.s32 $0x600;
	s11 =	rddreg [dreg:$0xd];
	[sflag:s8] =	ssyncadd.s32 $0xFFFFFF00  }
0x58: {  	[tilespmem:s15], [sflag:$0xD] =	stream.linear.gather [hbm4b:s11+s4], $0x100, $0x38;
	[tilespmem:$0x11800] =	vst v63  }
0x59: {  	_ =	swait.ge [sflag:s8], $0x100  }
0x5a: {  	[sflag:s8] =	ssyncset.done $0x0  }
0x5b: {  	s22 =	simm.s32 $0x700;
	s21 =	rddreg [dreg:$0xe];
	[sflag:s8] =	ssyncadd.s32 $0xFFFFFF00  }
0x5c: {  	[tilespmem:s22], [sflag:$0xD] =	stream.linear.gather [hbm4b:s21+s4], $0x100, $0x38;
	[tilespmem:$0x11800] =	vst v63  }
0x5d: {  	_ =	swait.ge [sflag:s8], $0x100  }
0x5e: {  	[sflag:s8] =	ssyncset.done $0x0  }
.Ltmp2:
0x5f: {  	[sflag:s8] =	ssyncadd.s32 $0xFFFFFF00;
	(pc) =	sbr.rel .LBB2_2-.Ltmp2, $4  }
0x60: {  	[bflag:$0x0] =	sbarrier.arrive $0xFFFF  }
0x61: {  	s25 =	simm.s32 $0x0;
	s10 =	rddreg [dreg:$0x19]  }
0x62: {  	s9 =	simm.s32 $0xFFFFFFFC;
	s15 =	simm.s32 $0x0;
	s11 =	rddreg [dreg:$0x15]  }
0x63: {  	s4 =	simm.s32 $0x0;
	s8 =	simm.s32 $0x0;
	s31 =	rddreg [dreg:$0x14]  }
.LBB2_7:
0x64: {  	[tilespmem:s14], [sflag:$0x5] =	stream.indirect.gather [spmem:s3], $0x40, s25, s13, $0xb8;
	[tilespmem:$0x11800] =	vst v63  }
0x65: {  	s21 =	simm.s32 $0x2800  }
0x66: {  	[tilespmem:s21], [sflag:$0x5] =	stream.indirect.gather [spmem:s3], $0x40, s13, s13, $0xb8;
	[tilespmem:$0x11800] =	vst v63  }
0x67: {  	s7 =	simm.s32 $0x200  }
0x68: {  	[tilespmem:s16], [sflag:$0x6] =	stream.indirect.gather [spmem:s3], $0x40, s7, s13, $0xb8;
	[tilespmem:$0x11800] =	vst v63  }
0x69: {  	s22 =	simm.s32 $0x280  }
0x6a: {  	[tilespmem:s20], [sflag:$0x6] =	stream.indirect.gather [spmem:s3], $0x40, s22, s13, $0xb8;
	[tilespmem:$0x11800] =	vst v63  }
0x6b: {  	_ =	swait.ge [sflag:s23], $0x2000  }
0x6c: {  	[sflag:s23] =	ssyncset.done $0x0  }
0x6d: {  	[sflag:s23] =	ssyncadd.s32 $0xFFFFE000  }
0x6e: {  	_ =	swait.ge [sflag:s23], $0x2000  }
0x6f: {  	[sflag:s23] =	ssyncset.done $0x0  }
0x70: {  	s18 =	simm.s32 $0x100;
	[sflag:s23] =	ssyncadd.s32 $0xFFFFE000  }
0x71: {  	[tilespmem:s14], [sflag:$0x5] =	stream.indirect.gather.add.f32 [hbm:s1], $0x40, s18, s13, $0xb8;
	[tilespmem:$0x11800] =	vst v63  }
0x72: {  	s22 =	simm.s32 $0x180;
	s18 =	simm.s32 $0x2800  }
0x73: {  	[tilespmem:s21], [sflag:$0x5] =	stream.indirect.gather.add.f32 [hbm:s1], $0x40, s22, s13, $0xb8;
	[tilespmem:$0x11800] =	vst v63  }
.LBB2_12:
0x74: {  	p0 =	seq.s32 s4, $0x0  }
0x75: {  	s7 =	simm.s32 @!p0 $0x3  }
0x76: {  	_ =	swait.ge @!p0 [sflag:s7], $0x100  }
0x77: {  	[sflag:s7] =	ssyncset.done @!p0 $0x0  }
0x78: {  	[sflag:s7] =	ssyncadd.s32 @!p0 $0xFFFFFF00  }
0x79: {  	_ =	swait.ge @!p0 [sflag:s7], $0x100  }
0x7a: {  	[sflag:s7] =	ssyncset.done @!p0 $0x0  }
0x7b: {  	[sflag:s7] =	ssyncadd.s32 @!p0 $0xFFFFFF00;
	s7 =	simm.s32 @!p0 $0xB  }
0x7c: {  	_ =	swait.ge @!p0 [sflag:s7], $0x4000  }
0x7d: {  	[sflag:s7] =	ssyncset.done @!p0 $0x0  }
0x7e: {  	s22 =	simm.s32 $0x400;
	[sflag:s7] =	ssyncadd.s32 @!p0 $0xFFFFC000  }
0x7f: {  	[tilespmem:s30], [sflag:$0x7] =	stream.indirect.gather [spmem:s3], $0x40, s22, s13, $0xb8;
	[tilespmem:$0x11800] =	vst v63  }
0x80: {  	s21 =	simm.s32 $0x480  }
0x81: {  	[tilespmem:s26], [sflag:$0x7] =	stream.indirect.gather [spmem:s3], $0x40, s21, s13, $0xb8;
	[tilespmem:$0x11800] =	vst v63  }
0x82: {  	_ =	swait.ge [sflag:s28], $0x2000  }
0x83: {  	[sflag:s28] =	ssyncset.done $0x0  }
0x84: {  	[sflag:s28] =	ssyncadd.s32 $0xFFFFE000  }
0x85: {  	_ =	swait.ge [sflag:s28], $0x2000  }
0x86: {  	[sflag:s28] =	ssyncset.done $0x0  }
0x87: {  	s22 =	simm.s32 $0x300;
	[sflag:s28] =	ssyncadd.s32 $0xFFFFE000  }
0x88: {  	[tilespmem:s16], [sflag:$0x6] =	stream.indirect.gather.add.f32 [hbm:s1], $0x40, s22, s13, $0xb8;
	[tilespmem:$0x11800] =	vst v63  }
0x89: {  	s21 =	simm.s32 $0x380  }
0x8a: {  	[tilespmem:s20], [sflag:$0x6] =	stream.indirect.gather.add.f32 [hbm:s1], $0x40, s21, s13, $0xb8;
	[tilespmem:$0x11800] =	vst v63  }
0x8b: {  	_ =	swait.ge [sflag:s23], $0x2000  }
0x8c: {  	[sflag:s23] =	ssyncset.done $0x0  }
0x8d: {  	[sflag:s23] =	ssyncadd.s32 $0xFFFFE000  }
0x8e: {  	_ =	swait.ge [sflag:s23], $0x2000  }
0x8f: {  	p0 =	sgt.u32 s8, $0x17;
	[sflag:s23] =	ssyncset.done $0x0;
	s7 =	rddreg [dreg:$0x16]  }
0x90: {  	[sflag:s23] =	ssyncadd.s32 $0xFFFFE000;
	s7 =	sadd.s32 @!p0 s15, s7  }
0x91: {  	[hbm4b:s11+s12] =	stream.strided.scatter [tilespmem:s14], [sflag:$0x9], $0x4000, s13, s12, $0x38;
	[tilespmem:$0x11800] =	vst v63  }
0x92: {  	s21 =	sshrl.u32 @!p0 s7, $0x3  }
0x93: {  	p1 =	seq.s32 @!p0 s4, $0x0;
	s7 =	simm.s32 @!p0 $0x0;
	s22 =	sadd.s32 @!p0 s5, s21  }
0x94: {  	[tilespmem:s7], [sflag:$0x1] =	stream.linear.gather @!p0 [hbm4b:s22+s7], $0x100, $0x38;
	[tilespmem:$0x11800] =	vst v63  }
0x95: {  	p1 =	por p0, !p1;
	s21 =	sadd.s32 @!p0 s6, s21;
	s22 =	simm.s32 @!p0 $0x100  }
0x96: {  	[tilespmem:s22], [sflag:$0x1] =	stream.linear.gather @!p0 [hbm4b:s21+s7], $0x100, $0x38;
	[tilespmem:$0x11800] =	vst v63  }
0x97: {  	_ =	swait.ge @p1 [sflag:s29], $0x100  }
0x98: {  	[sflag:s29] =	ssyncset.done @p1 $0x0  }
0x99: {  	[sflag:s29] =	ssyncadd.s32 @p1 $0xFFFFFF00  }
0x9a: {  	_ =	swait.ge @p1 [sflag:s29], $0x100  }
0x9b: {  	[sflag:s29] =	ssyncset.done @p1 $0x0  }
0x9c: {  	[sflag:s29] =	ssyncadd.s32 @p1 $0xFFFFFF00  }
0x9d: {  	_ =	swait.ge @p1 [sflag:s17], $0x4000  }
0x9e: {  	[sflag:s17] =	ssyncset.done @p1 $0x0  }
0x9f: {  	s21 =	simm.s32 $0x600;
	s22 =	simm.s32 $0xC800;
	[sflag:s17] =	ssyncadd.s32 @p1 $0xFFFFC000  }
0xa0: {  	[tilespmem:s22], [sflag:$0x8] =	stream.indirect.gather [spmem:s3], $0x40, s21, s13, $0xb8;
	[tilespmem:$0x11800] =	vst v63  }
0xa1: {  	s21 =	simm.s32 $0x680;
	s22 =	simm.s32 $0xE800  }
0xa2: {  	[tilespmem:s22], [sflag:$0x8] =	stream.indirect.gather [spmem:s3], $0x40, s21, s13, $0xb8;
	[tilespmem:$0x11800] =	vst v63  }
0xa3: {  	_ =	swait.ge [sflag:s19], $0x2000  }
0xa4: {  	[sflag:s19] =	ssyncset.done $0x0  }
0xa5: {  	[sflag:s19] =	ssyncadd.s32 $0xFFFFE000  }
0xa6: {  	_ =	swait.ge [sflag:s19], $0x2000  }
0xa7: {  	[sflag:s19] =	ssyncset.done $0x0  }
0xa8: {  	s22 =	simm.s32 $0x500;
	[sflag:s19] =	ssyncadd.s32 $0xFFFFE000  }
0xa9: {  	[tilespmem:s30], [sflag:$0x7] =	stream.indirect.gather.add.f32 [hbm:s1], $0x40, s22, s13, $0xb8;
	[tilespmem:$0x11800] =	vst v63  }
0xaa: {  	s22 =	simm.s32 $0x580  }
0xab: {  	[tilespmem:s26], [sflag:$0x7] =	stream.indirect.gather.add.f32 [hbm:s1], $0x40, s22, s13, $0xb8;
	[tilespmem:$0x11800] =	vst v63  }
0xac: {  	_ =	swait.ge [sflag:s28], $0x2000  }
0xad: {  	[sflag:s28] =	ssyncset.done $0x0  }
0xae: {  	[sflag:s28] =	ssyncadd.s32 $0xFFFFE000  }
0xaf: {  	_ =	swait.ge [sflag:s28], $0x2000  }
0xb0: {  	[sflag:s28] =	ssyncset.done $0x0  }
0xb1: {  	s21 =	rddreg [dreg:$0x13];
	[sflag:s28] =	ssyncadd.s32 $0xFFFFE000  }
0xb2: {  	[hbm4b:s31+s12] =	stream.strided.scatter [tilespmem:s16], [sflag:$0xA], $0x4000, s13, s12, $0x38;
	[tilespmem:$0x11800] =	vst v63  }
0xb3: {  	s22 =	simm.s32 @!p0 $0x200;
	s21 =	sadd.s32 @!p0 s4, s21  }
0xb4: {  	[tilespmem:s22], [sflag:$0x2] =	stream.linear.gather @!p0 [hbm4b:s21+s7], $0x100, $0x38;
	[tilespmem:$0x11800] =	vst v63  }
0xb5: {  	s21 =	rddreg [dreg:$0x12]  }
0xb6: {  	s22 =	simm.s32 @!p0 $0x300;
	s21 =	sadd.s32 @!p0 s4, s21  }
0xb7: {  	[tilespmem:s22], [sflag:$0x2] =	stream.linear.gather @!p0 [hbm4b:s21+s7], $0x100, $0x38;
	[tilespmem:$0x11800] =	vst v63  }
.LBB2_13:
0xb8: {  	s4 =	sadd.s32 $0x80, s4  }
0xb9: {  	p0 =	sne.s32 s4, $0xD00  }
.Ltmp3:
0xba: {  	_ = 	snop;
	(pc) =	sbr.rel @!p0 .LBB2_14-.Ltmp3, $3  }
0xbb: {  	_ =	sdelay $0x1  }
0xbc: {  	s8 =	sadd.s32 $0x1, s8;
	s15 =	sadd.s32 $0x400, s15;
	s31 =	sadd.s32 $0x4000, s31  }
0xbd: {  	s11 =	sadd.s32 $0x4000, s11;
	s9 =	sadd.s32 $0x4, s9;
	s10 =	sadd.s32 $0x4000, s10  }
.LBB2_2:
0xbe: {  	p0 =	seq.s32 s8, $0x0  }
.Ltmp4:
0xbf: {  	_ = 	snop;
	(pc) =	sbr.rel @p0 .LBB2_7-.Ltmp4, $1  }
0xc0: {  	_ =	sdelay $0x3  }
0xc1: {  	p0 =	seq.s32 s8, $0x19  }
0xc2: {  	s7 =	simm.s32 @!p0 $0x1  }
0xc3: {  	_ =	swait.ge @!p0 [sflag:s7], $0x100  }
0xc4: {  	[sflag:s7] =	ssyncset.done @!p0 $0x0  }
0xc5: {  	[sflag:s7] =	ssyncadd.s32 @!p0 $0xFFFFFF00  }
0xc6: {  	_ =	swait.ge @!p0 [sflag:s7], $0x100  }
0xc7: {  	[sflag:s7] =	ssyncset.done @!p0 $0x0  }
0xc8: {  	[sflag:s7] =	ssyncadd.s32 @!p0 $0xFFFFFF00;
	s7 =	simm.s32 @!p0 $0x9  }
0xc9: {  	_ =	swait.ge @!p0 [sflag:s7], $0x4000  }
0xca: {  	s21 =	simm.s32 @!p0 $0x0;
	[sflag:s7] =	ssyncset.done @!p0 $0x0  }
0xcb: {  	s22 =	simm.s32 @!p0 $0x800;
	[sflag:s7] =	ssyncadd.s32 @!p0 $0xFFFFC000;
	s7 =	simm.s32 @!p0 $0x80  }
0xcc: {  	[tilespmem:s22], [sflag:$0x5] =	stream.indirect.gather @!p0 [spmem:s3], $0x40, s21, s7, $0xb8;
	[tilespmem:$0x11800] =	vst v63  }
0xcd: {  	p1 =	sgt.u32 @!p0 s9, $0x63;
	s21 =	simm.s32 @!p0 $0x2800  }
0xce: {  	[tilespmem:s21], [sflag:$0x5] =	stream.indirect.gather @!p0 [spmem:s3], $0x40, s7, s7, $0xb8;
	[tilespmem:$0x11800] =	vst v63  }
0xcf: {  	p0 =	por p0, !p1  }
.Ltmp5:
0xd0: {  	_ = 	snop;
	(pc) =	sbr.rel @!p0 .LBB2_6-.Ltmp5, $1  }
0xd1: {  	_ =	sdelay $0x3  }
0xd2: {  	_ =	swait.ge [sflag:s0], $0x2000  }
0xd3: {  	[sflag:s0] =	ssyncset.done $0x0  }
0xd4: {  	[sflag:s0] =	ssyncadd.s32 $0xFFFFE000  }
0xd5: {  	_ =	swait.ge [sflag:s0], $0x2000  }
0xd6: {  	[sflag:s0] =	ssyncset.done $0x0  }
0xd7: {  	s7 =	simm.s32 $0x700;
	s21 =	simm.s32 $0xC800;
	[sflag:s0] =	ssyncadd.s32 $0xFFFFE000  }
0xd8: {  	[tilespmem:s21], [sflag:$0x8] =	stream.indirect.gather.add.f32 [hbm:s1], $0x40, s7, s13, $0xb8;
	[tilespmem:$0x11800] =	vst v63  }
0xd9: {  	s22 =	simm.s32 $0x780;
	s21 =	simm.s32 $0xE800  }
0xda: {  	[tilespmem:s21], [sflag:$0x8] =	stream.indirect.gather.add.f32 [hbm:s1], $0x40, s22, s13, $0xb8;
	[tilespmem:$0x11800] =	vst v63  }
0xdb: {  	_ =	swait.ge [sflag:s19], $0x2000  }
0xdc: {  	p0 =	seq.s32 s4, $0xC80;
	[sflag:s19] =	ssyncset.done $0x0  }
.Ltmp6:
0xdd: {  	[sflag:s19] =	ssyncadd.s32 $0xFFFFE000;
	(pc) =	sbr.rel @!p0 .LBB2_8-.Ltmp6, $4  }
0xde: {  	_ =	swait.ge [sflag:s19], $0x2000  }
0xdf: {  	s21 =	sand.u32 $0x1FFFE000, s10;
	[sflag:s19] =	ssyncset.done $0x0;
	s22 =	rddreg [dreg:$0x4]  }
0xe0: {  	[sflag:s19] =	ssyncadd.s32 $0xFFFFE000;
	s7 =	sadd.s32 s22, s21  }
0xe1: {  	[hbm4b:s7+s12] =	stream.strided.scatter [tilespmem:s30], [sflag:$0xB], $0x4000, s13, s12, $0x38;
	[tilespmem:$0x11800] =	vst v63  }
.Ltmp7:
0xe2: {  	(pc) =	sbr.rel .LBB2_10-.Ltmp7, $2  }
0xe3: {  	_ =	sdelay $0x2  }
0xe4: {  	p1 =	por $0x1, $0x1;
	s7 =	simm.s32 $0x6400  }
.LBB2_6:
0xe5: {  	p1 =	seq.s32 s4, $0xC80  }
.Ltmp8:
0xe6: {  	_ = 	snop;
	(pc) =	sbr.rel @!p1 .LBB2_9-.Ltmp8, $4  }
.Ltmp9:
0xe7: {  	_ = 	snop;
	(pc) =	sbr.rel @p1 .LBB2_14-.Ltmp9, $4  }
0xe8: {  	_ = 	snop  }
0xe9: {  	_ = 	snop  }
0xea: {  	p0 =	por $0x0, $0x0  }
0xeb: {  	_ = 	snop  }
.LBB2_8:
0xec: {  	s7 =	rddreg [dreg:$0x18];
	s21 =	simm.s32 $0x0;
	s22 =	simm.s32 $0x400  }
0xed: {  	s25 =	rddreg [dreg:$0x17];
	p0 =	por $0x1, $0x1;
	s7 =	sadd.s32 s4, s7  }
0xee: {  	[tilespmem:s22], [sflag:$0x3] =	stream.linear.gather [hbm4b:s7+s21], $0x100, $0x38;
	[tilespmem:$0x11800] =	vst v63  }
0xef: {  	s7 =	sadd.s32 s4, s25;
	s25 =	simm.s32 $0x0;
	s22 =	simm.s32 $0x500  }
0xf0: {  	[tilespmem:s22], [sflag:$0x3] =	stream.linear.gather [hbm4b:s7+s21], $0x100, $0x38;
	[tilespmem:$0x11800] =	vst v63  }
.LBB2_9:
0xf1: {  	_ =	swait.ge [sflag:s2], $0x100  }
0xf2: {  	[sflag:s2] =	ssyncset.done $0x0  }
0xf3: {  	[sflag:s2] =	ssyncadd.s32 $0xFFFFFF00  }
0xf4: {  	_ =	swait.ge [sflag:s2], $0x100  }
0xf5: {  	[sflag:s2] =	ssyncset.done $0x0  }
0xf6: {  	[sflag:s2] =	ssyncadd.s32 $0xFFFFFF00  }
0xf7: {  	_ =	swait.ge [sflag:s24], $0x4000  }
0xf8: {  	[sflag:s24] =	ssyncset.done $0x0  }
0xf9: {  	s7 =	simm.s32 $0x200;
	[sflag:s24] =	ssyncadd.s32 $0xFFFFC000  }
0xfa: {  	[tilespmem:s16], [sflag:$0x6] =	stream.indirect.gather [spmem:s3], $0x40, s7, s13, $0xb8;
	[tilespmem:$0x11800] =	vst v63  }
0xfb: {  	s22 =	simm.s32 $0x280  }
0xfc: {  	[tilespmem:s20], [sflag:$0x6] =	stream.indirect.gather [spmem:s3], $0x40, s22, s13, $0xb8;
	[tilespmem:$0x11800] =	vst v63  }
0xfd: {  	_ =	swait.ge [sflag:s23], $0x2000  }
0xfe: {  	[sflag:s23] =	ssyncset.done $0x0  }
0xff: {  	[sflag:s23] =	ssyncadd.s32 $0xFFFFE000  }
0x100: {  	_ =	swait.ge [sflag:s23], $0x2000  }
.Ltmp10:
0x101: {  	[sflag:s23] =	ssyncset.done $0x0;
	(pc) =	sbr.rel @!p0 .LBB2_12-.Ltmp10, $4  }
0x102: {  	s21 =	simm.s32 $0x100;
	[sflag:s23] =	ssyncadd.s32 $0xFFFFE000  }
0x103: {  	[tilespmem:s14], [sflag:$0x5] =	stream.indirect.gather.add.f32 [hbm:s1], $0x40, s21, s13, $0xb8;
	[tilespmem:$0x11800] =	vst v63  }
0x104: {  	p1 =	por $0x0, $0x0;
	s7 =	smov.u32 s15;
	s22 =	simm.s32 $0x180  }
0x105: {  	[tilespmem:s18], [sflag:$0x5] =	stream.indirect.gather.add.f32 [hbm:s1], $0x40, s22, s13, $0xb8;
	[tilespmem:$0x11800] =	vst v63  }
.LBB2_10:
0x106: {  	_ =	swait.ge [sflag:s0], $0x2000  }
0x107: {  	[sflag:s0] =	ssyncset.done $0x0;
	s21 =	rddreg [dreg:$0xf]  }
.Ltmp11:
0x108: {  	[sflag:s0] =	ssyncadd.s32 $0xFFFFE000;
	s21 =	sadd.s32 s7, s21;
	(pc) =	sbr.rel @p1 .LBB2_13-.Ltmp11, $4  }
0x109: {  	_ =	swait.ge [sflag:s0], $0x2000;
	s21 =	sshll.u32 s21, $0x4  }
0x10a: {  	[sflag:s0] =	ssyncset.done $0x0;
	s21 =	sand.u32 $0x1FFFF000, s21;
	s22 =	rddreg [dreg:$0x4]  }
0x10b: {  	[sflag:s0] =	ssyncadd.s32 $0xFFFFE000;
	s21 =	sadd.s32 s22, s21;
	s22 =	simm.s32 $0xC800  }
0x10c: {  	[hbm4b:s21+s12] =	stream.strided.scatter [tilespmem:s22], [sflag:$0xC], $0x4000, s13, s12, $0x38;
	[tilespmem:$0x11800] =	vst v63  }
0x10d: {  	s21 =	rddreg [dreg:$0x10]  }
0x10e: {  	s7 =	sadd.s32 s7, s21  }
.Ltmp12:
0x10f: {  	s7 =	sshrl.u32 s7, $0x3;
	(pc) =	sbr.rel .LBB2_12-.Ltmp12, $4  }
0x110: {  	s22 =	simm.s32 $0x0;
	s25 =	simm.s32 $0x600;
	s21 =	sadd.s32 s5, s7  }
0x111: {  	[tilespmem:s25], [sflag:$0x4] =	stream.linear.gather [hbm4b:s21+s22], $0x100, $0x38;
	[tilespmem:$0x11800] =	vst v63  }
0x112: {  	s7 =	sadd.s32 s6, s7;
	s25 =	simm.s32 $0x0;
	s21 =	simm.s32 $0x700  }
0x113: {  	[tilespmem:s21], [sflag:$0x4] =	stream.linear.gather [hbm4b:s7+s22], $0x100, $0x38;
	[tilespmem:$0x11800] =	vst v63  }
.LBB2_15:
0x114: {  	_ =	sfence.sel $0x180000  }
0x115: {  	[bflag:$0x0] =	sbarrier.arrive $0xFFFF  }
0x116: {  	_ =	strace $0x90000047  }
0x117: {  	s0 =	stileid.u32;
	[bflag:$0x2] =	sbarrier.arrive $0xFFFF  }
0x118: {  	p0 =	sne.s32 s0, $0x0;
	s0 =	rddreg [dreg:$0x3]  }
0x119: {  	s0 =	sadd.s32 @!p0 $0x100000, s0  }
0x11a: {  	[sflag:s0] =	ssyncadd.tile.s32 @!p0 $0x1;
	_ =	shalt  }
.Lfunc_end2:
_tile_overlayer_lowered:
.L_overlay_start_2:
0x11b: {  	(tag) =	ssettag $0x2  }
0x11c: {  	s0 =	rddreg [dreg:$0x0];
	s2 =	stileid.u32  }
0x11d: {  	s1 =	rddreg [dreg:$0x1];
	p0 =	sne.s32 s2, $0x0  }
0x11e: {  	s3 =	rddreg [dreg:$0x2];
	[bflag:$0x3] =	sbarrier.arrive $0xFFFF;
	s2 =	simm.s32 @!p0 $0x1C0D  }
0x11f: {  	[timem:s3], [sflag:s2] =	dma.local @!p0 [hbm:s0], s1  }
0x120: {  	s0 =	simm.s32 @!p0 $0xD  }
0x121: {  	_ =	swait.ge @!p0 [sflag:s0], s1  }
0x122: {  	s1 =	ssub.s32 @!p0 $0x0, s1;
	[sflag:s0] =	ssyncset.done @!p0 $0x0  }
0x123: {  	[sflag:s0] =	ssyncadd.s32 @!p0 s1  }
0x124: {  	[bflag:$0x3] =	sbarrier.arrive $0xFFFF  }
0x125: {  	_ =	shalt  }

// kernel: sparse-core-data-format-call.cloned.1.call-start
scs
called_computation_lowered:
.L_overlay_start_0:
0x0: {  	s2 =	sld [smem:$0x3FD9]  }
0x1: {  	s3 =	sld [smem:$0x3FFE];
	_ =	sdelay $0x1  }
0x2: {  	s1 =	srdreg.scid  }
0x3: {  	s0 =	sand.u32 $0x1, s1  }
0x4: {  	s18 =	sshll.u32 s0, $0xA;
	s2 =	sadd.s32 s3, s2  }
0x5: {  	s2 =	sadd.s32 s2, s18  }
0x6: {  	[smem:$0x3FC0] =	sst s2  }
0x7: {  	_ = 	snop  }
0x8: {  	s2 =	sld [smem:$0x3FD0];
	(tm) =	ssettm $0x1  }
0x9: {  	s19 =	sld [smem:$0x3FFB];
	_ =	sdelay $0x3  }
0xa: {  	_ =	strace s19  }
0xb: {  	s3 =	sld [smem:$0x3FFC];
	_ =	sdelay $0x3  }
0xc: {  	_ =	strace s3  }
0xd: {  	s3 =	sld [smem:$0x3FFD];
	_ =	sdelay $0x3  }
0xe: {  	_ =	strace s3  }
0xf: {  	_ =	strace $0x8FFFFFFF  }
0x10: {  	s20 =	sld [smem:$0x3FDB];
	_ =	sdelay $0x1  }
0x11: {  	s4 =	simm.s32 $_scs_section_size  }
0x12: {  	s5 =	simm.s32 $_size__tile_overlayer_lowered;
	s6 =	simm.s32 $_tile_overlayer_lowered  }
0x13: {  	s23 =	simm.s32 $0x1BFF;
	s22 =	sshll.u32 s6, $0x1;
	s3 =	sadd.s32 s4, s20  }
0x14: {  	s7 =	simm.s32 $0x0;
	s21 =	sshll.u32 s5, $0x1;
	s5 =	sadd.s32 s22, s3  }
0x15: {  	[timem:s7], [sflag:s23] =	dma.local [hbm:s5], s21  }
0x16: {  	_ =	swait.ge [sflag:s23], s21  }
0x17: {  	s4 =	ssub.s32 $0x0, s21;
	[sflag:s23] =	ssyncset.done $0x0  }
0x18: {  	[sflag:s23] =	ssyncadd.s32 s4;
	_ =	sdelay $0x1  }
0x19: {  	s24 =	simm.s32 $0x1B8B  }
0x1a: {  	_ =	swait.ge [sflag:s24], $0x1  }
0x1b: {  	[sflag:s24] =	ssyncset.done $0x0  }
0x1c: {  	s26 =	simm.s32 $0x1B8E;
	s25 =	sld [smem:$0x3FFE];
	[sflag:s24] =	ssyncadd.s32 $0xFFFFFFFF  }
0x1d: {  	s27 =	simm.s32 $execute0_lowered;
	[smem:$0x3FD2] =	sst s26  }
0x1e: {  	s5 =	sshll.u32 s27, $0x1;
	_ =	strace $0x80000049;
	[dreg:$0x1] =	wrdreg $0xFFFFFFFF  }
0x1f: {  	s28 =	simm.s32 $_size_execute0_lowered;
	s3 =	sadd.s32 s3, s5;
	[dreg:$0x0] =	wrdreg $0x0  }
0x20: {  	s5 =	sshll.u32 s28, $0x1;
	[dreg:$0x2] =	wrdreg s3  }
0x21: {  	[dreg:$0x3] =	wrdreg s5  }
0x22: {  	[dreg:$0x4] =	wrdreg $0xC0  }
0x23: {  	_ =	task [dreg:s7], $0x5FFFF  }
0x24: {  	[dreg:$0x1] =	wrdreg $0xFFFFFFFF  }
0x25: {  	[dreg:$0x0] =	wrdreg $0x60  }
0x26: {  	[dreg:$0x2] =	wrdreg s25  }
0x27: {  	[dreg:$0x3] =	wrdreg s2  }
0x28: {  	[dreg:$0x4] =	wrdreg $0x9  }
0x29: {  	_ =	task.clear_ibuf [dreg:s7], $0x5FFFF;
	_ =	strace $0x90000049  }
0x2a: {  	s29 =	simm.s32 $0x9;
	_ =	strace $0x8000004B  }
0x2b: {  	_ =	swait.ge [sflag:s29], $0x1  }
0x2c: {  	[sflag:s29] =	ssyncadd.s32 $0xFFFFFFFF  }
0x2d: {  	_ =	strace $0x9000004B  }
0x2e: {  	_ =	sfence  }
0x2f: {  	s30 =	sld [smem:$0x0];
	_ =	sdelay $0x2  }
0x30: {  	s31 =	sshll.u32 s1, $0xD;
	s1 =	sshrl.u32 s1, $0x2  }
0x31: {  	s3 =	sand.u32 $0x4000, s31;
	s1 =	sadd.s32 s1, s30  }
0x32: {  	s0 =	sor.u32 s3, s0;
	s1 =	sshll.u32 s1, $0x11  }
0x33: {  	s0 =	sor.u32 s1, s0  }
0x34: {  	s0 =	sadd.s32 $0x8F2B, s0  }
0x35: {  	[sflag:s0] =	ssyncadd.remote.s32 $0x1  }
0x36: {  	_ =	sfence.sel $0xFFFF  }
0x37: {  	[dreg:$0x0] =	wrdreg $0xFFFFFFFF;
	(pc) =	sbr.abs _section_cstart, $3  }
0x38: {  	[dreg:$0x1] =	wrdreg $0xFFFFFFFF  }
0x39: {  	_ =	task.clear_ibuf [dreg:s7], $0x2FFFF;
	_ =	strace $0x9FFFFFFF  }
0x3a: {  	(tm) =	ssettm $0x7FFFFFFF  }
0x3b: {  	_ =	shalt  }
tec
execute0_lowered:
.L_overlay_start_1:
0x0: {  	(tag) =	ssettag $0x1  }
0x1: {  	s0 =	srdreg.scid  }
0x2: {  	s1 =	sshll.u32 s0, $0x4  }
0x3: {  	s0 =	stileid.u32;
	s1 =	sand.u32 $0x10, s1  }
0x4: {  	s1 =	sor.u32 s0, s1  }
0x5: {  	s6 =	rddreg [dreg:$0x0];
	s4 =	simm.s32 $0x1;
	s2 =	sshll.u32 s1, $0x7  }
0x6: {  	s7 =	simm.s32 $0x2;
	s12 =	simm.s32 $0x0;
	s1 =	ssub.s32 $0x1000, s2  }
0x7: {  	s8 =	simm.s32 $0x8000;
	s13 =	simm.s32 $0x0;
	s3 =	sand.u32 $0xF80, s1  }
0x8: {  	s9 =	simm.s32 $0x0;
	s5 =	sshrl.u32 s1, $0xC;
	p0 =	sne.s32 s3, $0x0  }
.Ltmp0:
0x9: {  	s1 =	rddreg [dreg:$0x2];
	s4 =	simm.s32 @!p0 $0x0;
	(pc) =	sbr.rel .LBB1_1-.Ltmp0, $4  }
0xa: {  	s11 =	simm.s32 $0x0;
	s3 =	rddreg [dreg:$0x1];
	s5 =	sadd.s32 s4, s5  }
0xb: {  	_ =	strace $0x8000004A;
	s4 =	simm.s32 $0x1;
	s5 =	smul.u32 $0xC8, s5  }
0xc: {  	s6 =	sadd.s32 $0x36200, s6;
	s10 =	smov.u32 s2;
	[sflag:s4] =	ssyncpa.u1 $0x0  }
0xd: {  	p0 =	por $0x0, $0x0;
	[sflag:s7] =	ssyncpa.u1 $0x0;
	s7 =	sor.u32 $0x1, s5  }
.LBB1_4:
0xe: {  	s16 =	sshll.u32 s13, $0x3;
	s17 =	sand.u32 $0x78, s13  }
0xf: {  	s30 =	sand.u32 $0x7E00, s13;
	s12 =	sshll.u32 s12, $0xF;
	s16 =	sand.u32 $0xC00, s16  }
0x10: {  	[tilespmem:s15+$0x810 ss:$0x81] =	vst.msk $0xffff, v2;
	s31 =	sand.u32 $0x7, s13;
	s16 =	sor.u32 s17, s16;
	s17 =	sadd.s32 s3, s30  }
0x11: {  	[tilespmem:s15+$0x1020 ss:$0x81] =	vst.msk $0xffff, v0;
	s13 =	sshll.u32 s31, $0x12;
	s12 =	sadd.s32 s12, s17;
	s16 =	sshrl.u32 s16, $0x3  }
0x12: {  	[tilespmem:s15+$0x0 ss:$0x81] =	vst.msk $0xffff, v1;
	s13 =	sor.u32 $0x400, s13;
	s12 =	sadd.s32 s16, s12  }
0x13: {  	[hbm4b:s12+s13] =	stream.strided.scatter [tilespmem:s14], [sflag:$0x2], $0x2000, s8, s13, $0x20;
	[tilespmem:$0x8080] =	vst v63  }
.LBB1_5:
0x14: {  	s14 =	sadd.s32 $0x1, s9  }
0x15: {  	s12 =	sadd.s32 $0x1000, s10;
	s16 =	smov.u32 s10;
	p2 =	sgt.s32 s14, $0xC7  }
0x16: {  	s16 =	smov.u32 @p2 s12  }
0x17: {  	s14 =	simm.s32 @p2 $0x0;
	p2 =	sgt.s32 s16, $0xFFF  }
0x18: {  	s16 =	smov.u32 @p2 s2;
	p2 =	sne.s32 s11, s7  }
.Ltmp1:
0x19: {  	p1 =	slt.u32 s11, $0x2;
	(pc) =	sbr.rel @!p2 .LBB1_6-.Ltmp1, $4  }
0x1a: {  	s15 =	simm.s32 @!p1 $0x2  }
0x1b: {  	s13 =	smov.u32 s10;
	p0 =	por !p0, !p0;
	_ =	swait.ge @!p1 [sflag:s15], $0x2000  }
0x1c: {  	s12 =	smov.u32 s9;
	[sflag:s15] =	ssyncset.done @!p1 $0x0;
	s9 =	smov.u32 s14  }
0x1d: {  	s11 =	sadd.s32 $0x1, s11;
	[sflag:s15] =	ssyncadd.s32 @!p1 $0xFFFFE000;
	s10 =	smov.u32 s16  }
.LBB1_1:
0x1e: {  	p1 =	sge.u32 s11, s5  }
0x1f: {  	s14 =	sand.u32 @!p1 $0x1FFFFFF, s9  }
0x20: {  	s15 =	smulhi.u32 @!p1 $0x147AE15, s14;
	_ =	sdelay $0x1  }
0x21: {  	s15 =	smul.u32 @!p1 $0xC8, s15  }
0x22: {  	s16 =	sxor.u32 @!p1 $0xFFFFFFFF, s11;
	s17 =	smul.u32 @!p1 $0xC80, s10  }
0x23: {  	s31 =	sadd.s32 $0xFFFFFFFF, s11;
	s16 =	sshll.u32 @!p1 s16, $0xD;
	s14 =	ssub.s32 @!p1 s14, s15  }
0x24: {  	s15 =	sand.u32 @!p1 $0x2000, s16;
	s16 =	sadd.s32 @!p1 s6, s17;
	s14 =	sshll.u32 @!p1 s14, $0x4  }
0x25: {  	s17 =	simm.s32 @!p1 $0x6400;
	s14 =	sadd.s32 @!p1 s14, s16;
	s16 =	simm.s32 @!p1 $0x40  }
0x26: {  	[tilespmem:s15], [sflag:$0x1] =	stream.strided.gather @!p1 [hbm4b:s14+s16], $0x2000, s17, s16, $0x38;
	[tilespmem:$0x8080] =	vst v63  }
0x27: {  	p1 =	sge.u32 s31, s5  }
.Ltmp2:
0x28: {  	_ = 	snop;
	(pc) =	sbr.rel @p1 .LBB1_5-.Ltmp2, $1  }
0x29: {  	_ =	sdelay $0x3  }
0x2a: {  	s14 =	simm.s32 $0x1  }
0x2b: {  	_ =	swait.ge [sflag:s4], $0x2000;
	s14 =	simm.s32 @!p0 $0x0  }
0x2c: {  	[sflag:s4] =	ssyncset.done $0x0;
	s15 =	sshll.u32 s14, $0xD  }
0x2d: {  	[sflag:s4] =	ssyncadd.s32 $0xFFFFE000;
	s18 =	sor.u32 $0x20, s15  }
0x2e: {  	s14 =	smul.u32 $0x8100, s14;
	v3 =	vld [tilespmem:s18+$0x10]  }
0x2f: {  	s30 =	sand.u32 $0x1, s11;
	v2 =	vld [tilespmem:s18+$0xFFFFFFF0]  }
0x30: {  	s15 =	smul.u32 $0x8100, s30;
	s14 =	sshrl.u32 s14, $0x2;
	v0 =	vld [tilespmem:s18+$0x0]  }
0x31: {  	v1 =	vld [tilespmem:s18+$0xFFFFFFE0];
	s16 =	sor.u32 $0x4000, s14  }
0x32: {  	s31 =	sshrl.u32 s15, $0x2;
	s15 =	sadd.s32 $0x0, s16  }
0x33: {  	s17 =	simm.s32 $0x4;
	s18 =	sadd.s32 $0x40, s18;
	s14 =	sor.u32 $0x4000, s31;
	[tilespmem:s15+$0x1830 ss:$0x81] =	vst.msk $0xffff, v3  }
.LBB1_3:
0x34: {  	v3 =	vld [tilespmem:s18+$0x10];
	p1 =	sne.s32 s17, $0x1FC;
	[tilespmem:s15+$0x810 ss:$0x81] =	vst.msk $0xffff, v2;
	s19 =	smov.u32 s17;
	s17 =	sadd.s32 $0x4, s17  }
.Ltmp3:
0x35: {  	v2 =	vld [tilespmem:s18+$0xFFFFFFF0];
	[tilespmem:s15+$0x1020 ss:$0x81] =	vst.msk $0xffff, v0;
	(pc) =	sbr.rel @p1 .LBB1_3-.Ltmp3, $4  }
0x36: {  	v0 =	vld [tilespmem:s18+$0x0];
	[tilespmem:s15+$0x0 ss:$0x81] =	vst.msk $0xffff, v1  }
0x37: {  	s15 =	sshra.s32 s19, $0x2;
	v1 =	vld [tilespmem:s18+$0xFFFFFFE0]  }
0x38: {  	s15 =	sadd.s32 s15, s16  }
0x39: {  	s18 =	sadd.s32 $0x40, s18;
	[tilespmem:s15+$0x1830 ss:$0x81] =	vst.msk $0xffff, v3  }
.Ltmp4:
0x3a: {  	_ = 	snop;
	(pc) =	sbr.rel .LBB1_4-.Ltmp4, $1  }
0x3b: {  	_ =	sdelay $0x3  }
.LBB1_6:
0x3c: {  	_ =	sfence.sel $0x180000  }
0x3d: {  	s2 =	simm.s32 $0x1;
	[bflag:$0x0] =	sbarrier.arrive $0xFFFF  }
0x3e: {  	s31 =	simm.s32 $0x2;
	[sflag:s2] =	ssyncpa.u1 $0x1  }
0x3f: {  	[sflag:s31] =	ssyncpa.u1 $0x1  }
0x40: {  	p0 =	sne.s32 s0, $0x0;
	_ =	strace $0x9000004A  }
0x41: {  	s0 =	sadd.s32 @!p0 $0x100000, s1;
	[bflag:$0x2] =	sbarrier.arrive $0xFFFF  }
0x42: {  	[sflag:s0] =	ssyncadd.tile.s32 @!p0 $0x1;
	_ =	shalt  }
.Lfunc_end1:
_tile_overlayer_lowered:
.L_overlay_start_2:
0x43: {  	(tag) =	ssettag $0x2  }
0x44: {  	s0 =	rddreg [dreg:$0x0];
	s2 =	stileid.u32  }
0x45: {  	s1 =	rddreg [dreg:$0x1];
	p0 =	sne.s32 s2, $0x0  }
0x46: {  	s3 =	rddreg [dreg:$0x2];
	[bflag:$0x3] =	sbarrier.arrive $0xFFFF;
	s2 =	simm.s32 @!p0 $0x1C01  }
0x47: {  	[timem:s3], [sflag:s2] =	dma.local @!p0 [hbm:s0], s1  }
0x48: {  	s0 =	simm.s32 @!p0 $0x1  }
0x49: {  	_ =	swait.ge @!p0 [sflag:s0], s1  }
0x4a: {  	s1 =	ssub.s32 @!p0 $0x0, s1;
	[sflag:s0] =	ssyncset.done @!p0 $0x0  }
0x4b: {  	[sflag:s0] =	ssyncadd.s32 @!p0 s1  }
0x4c: {  	[bflag:$0x3] =	sbarrier.arrive $0xFFFF  }
0x4d: {  	_ =	shalt  }

</sc_bundles>
